<compile_context>
chip_gen: v7x
topology: tpu7x:2x2x1
jax: 0.10.2.dev20260603
libtpu: 0.0.44.dev20260713+nightly
codegen_flags: <defaults>
</compile_context>

<pallas_src>
import jax
import jax.numpy as jnp
from jax import lax
from jax.experimental import pallas as pl
from jax.experimental.pallas import tpu as pltpu
from jax.experimental.pallas import tpu_sc as plsc

_B, _N, _C, _M = 8, 16384, 16, 128
_S = 512
_F = 3 + _C
_NW = 32
_NBOX = (_B * _M) // _NW
_R = _B * _N
_ZROW = _R
_L = 16
_IDXCAP = _S + _L


def _sc_body(px_hbm, py_hbm, pz_hbm, feats_hbm, boxes_hbm,
             feat_out_hbm, xyz_out_hbm, empty_hbm,
             px_v, py_v, pz_v, boxbuf, idxbuf, fidx, rows_v, xyzbuf,
             emptybuf, sem):
    wid = lax.axis_index("s") * 2 + lax.axis_index("c")
    gbase = wid * _NBOX
    b = gbase // _M
    pltpu.sync_copy(px_hbm.at[pl.ds(b * _N, _N)], px_v)
    pltpu.sync_copy(py_hbm.at[pl.ds(b * _N, _N)], py_v)
    pltpu.sync_copy(pz_hbm.at[pl.ds(b * _N, _N)], pz_v)
    pltpu.sync_copy(boxes_hbm.at[pl.ds(gbase * 8, _NBOX * 8)], boxbuf)
    lanes = lax.iota(jnp.int32, _L)
    lane0 = lanes == 0
    badd = b * _N

    def box_body(i, _):
        def param(p):
            return plsc.load_gather(
                boxbuf, [jnp.full((_L,), i * 8 + p, jnp.int32)])

        cx, cy, czc, hx, hy, hz, cosa, sina = [param(p) for p in range(8)]

        def chunk(base, ptr):
            pxv = px_v[pl.ds(base, _L)]
            pyv = py_v[pl.ds(base, _L)]
            pzv = pz_v[pl.ds(base, _L)]
            dxp = pxv - cx
            dyp = pyv - cy
            lx = dxp * cosa + dyp * sina
            ly = dyp * cosa - dxp * sina
            m = ((jnp.abs(pzv - czc) <= hz)
                 & (jnp.abs(lx) <= hx)
                 & (jnp.abs(ly) <= hy))
            plsc.store_compressed(
                idxbuf.at[pl.ds(ptr, _L)], base + lanes, mask=m)
            return jnp.minimum(
                ptr + plsc.all_reduce_population_count(m)[0], _S)

        cnt = plsc.parallel_loop(
            0, _N, step=_L, unroll=8, carry=jnp.int32(0))(chunk)
        cnt_v = jnp.full((_L,), cnt, jnp.int32)
        empty_v = cnt_v == 0
        cnt_safe = jnp.maximum(cnt_v, 1)
        nzf = jnp.where(empty_v, 0.0, 1.0)

        def build(j0):
            w = lax.rem(j0 + lanes, cnt_safe)
            src = plsc.load_gather(idxbuf, [w])
            src = jnp.where(empty_v, 0, src)
            fidx[pl.ds(j0, _L)] = jnp.where(empty_v, _ZROW, src + badd)
            xyzbuf[pl.ds(j0, _L)] = plsc.load_gather(px_v, [src]) * nzf
            xyzbuf[pl.ds(_S + j0, _L)] = plsc.load_gather(py_v, [src]) * nzf
            xyzbuf[pl.ds(2 * _S + j0, _L)] = plsc.load_gather(pz_v, [src]) * nzf

        plsc.parallel_loop(0, _S, step=_L, unroll=4)(build)

        copies = [
            pltpu.async_copy(
                feats_hbm.at[fidx.at[pl.ds(kk * 128, 128)]],
                rows_v.at[pl.ds(kk * 128, 128)], sem)
            for kk in range(_S // 128)
        ]
        for cpy in copies:
            cpy.wait()
        pltpu.sync_copy(rows_v, feat_out_hbm.at[pl.ds((gbase + i) * _S, _S)])
        pltpu.sync_copy(
            xyzbuf, xyz_out_hbm.at[pl.ds((gbase + i) * 3 * _S, 3 * _S)])
        plsc.store_scatter(emptybuf, [jnp.full((_L,), i, jnp.int32)],
                           empty_v.astype(jnp.int32), mask=lane0)
        return 0

    lax.fori_loop(0, _NBOX, box_body, 0)
    pltpu.sync_copy(emptybuf, empty_hbm.at[pl.ds(gbase, _NBOX)])


def kernel(points, point_features, boxes3d):
    B, N, _ = points.shape
    M = boxes3d.shape[1]
    px = points[:, :, 0].reshape(-1)
    py = points[:, :, 1].reshape(-1)
    pz = points[:, :, 2].reshape(-1)
    feats = jnp.concatenate(
        [point_features.reshape(B * N, _C),
         jnp.zeros((_L, _C), jnp.float32)], axis=0)
    cx = boxes3d[:, :, 0]
    cy = boxes3d[:, :, 1]
    dz = boxes3d[:, :, 5]
    czc = boxes3d[:, :, 2] + dz / 2.0
    hx = boxes3d[:, :, 3] / 2.0
    hy = boxes3d[:, :, 4] / 2.0
    hz = dz / 2.0
    rz = boxes3d[:, :, 6]
    boxes_prep = jnp.stack(
        [cx, cy, czc, hx, hy, hz, jnp.cos(rz), jnp.sin(rz)],
        axis=-1).reshape(-1)

    mesh = plsc.VectorSubcoreMesh(core_axis_name="c", subcore_axis_name="s")
    sc = pl.kernel(
        _sc_body,
        out_type=(
            jax.ShapeDtypeStruct((B * M * _S, _C), jnp.float32),
            jax.ShapeDtypeStruct((B * M * 3 * _S,), jnp.float32),
            jax.ShapeDtypeStruct((B * M,), jnp.int32),
        ),
        mesh=mesh,
        compiler_params=pltpu.CompilerParams(
            needs_layout_passes=False, use_tc_tiling_on_sc=False),
        scratch_types=[
            pltpu.VMEM((_N,), jnp.float32),
            pltpu.VMEM((_N,), jnp.float32),
            pltpu.VMEM((_N,), jnp.float32),
            pltpu.VMEM((_NBOX * 8,), jnp.float32),
            pltpu.VMEM((_IDXCAP,), jnp.int32),
            pltpu.VMEM((_S,), jnp.int32),
            pltpu.VMEM((_S, _C), jnp.float32),
            pltpu.VMEM((3 * _S,), jnp.float32),
            pltpu.VMEM((_NBOX,), jnp.int32),
            pltpu.SemaphoreType.DMA,
        ],
    )
    feat_out, xyz_out, empty_flat = sc(px, py, pz, feats, boxes_prep)
    xyz = xyz_out.reshape(B, M, 3, _S).transpose(0, 1, 3, 2)
    pooled = jnp.concatenate([xyz, feat_out.reshape(B, M, _S, _C)], axis=-1)
    return pooled, empty_flat.reshape(B, M)

# --- scband reference (transcript-rebuilt; emitter-appended) ---
"""Pipeline reference for scband-ro-ipoint-pool3d-81862076662286 (READ-ONLY COPY).

The authoritative reference and input builder live on the scoring server;
editing this copy changes nothing except your own understanding.
"""

import jax, jax.numpy as jnp
import numpy as np

NUM_SAMPLED_POINTS = 512


def setup_inputs(seed: int = 0):
    key = jax.random.key(seed)
    k1, k2, k3, k4, k5 = jax.random.split(key, 5)
    B, N, C, M = 8, 16384, 16, 128
    points = jax.random.uniform(k1, (B, N, 3), dtype=jnp.float32)
    point_features = jax.random.normal(k2, (B, N, C), dtype=jnp.float32)
    # boxes3d: (cx, cy, cz_bottom, dx, dy, dz, rz); centers inside the unit cube
    # with sizes in [0.1, 0.4] so a realistic fraction of boxes contain points.
    centers = jax.random.uniform(k3, (B, M, 3), dtype=jnp.float32)
    sizes = 0.1 + 0.3 * jax.random.uniform(k4, (B, M, 3), dtype=jnp.float32)
    rz = jnp.pi * jax.random.uniform(k5, (B, M, 1), dtype=jnp.float32)
    boxes3d = jnp.concatenate([centers, sizes, rz], axis=-1)
    return {"points": points, "point_features": point_features, "boxes3d": boxes3d}


def _points_in_boxes(points, boxes3d):
    # points: [B, N, 3]; boxes3d: [B, M, 7] -> mask [B, M, N]
    px = points[:, None, :, 0]
    py = points[:, None, :, 1]
    pz = points[:, None, :, 2]
    cx = boxes3d[:, :, 0:1]
    cy = boxes3d[:, :, 1:2]
    cz = boxes3d[:, :, 2:3]
    dx = boxes3d[:, :, 3:4]
    dy = boxes3d[:, :, 4:5]
    dz = boxes3d[:, :, 5:6]
    rz = boxes3d[:, :, 6:7]
    # shift bottom-center z to geometric center (matches CUDA kernel)
    cz = cz + dz / 2.0
    in_z = jnp.abs(pz - cz) <= dz / 2.0
    cosa = jnp.cos(rz)
    sina = jnp.sin(rz)
    # rotate point into box-local frame (rotation by -rz)
    lx = (px - cx) * cosa + (py - cy) * sina
    ly = -(px - cx) * sina + (py - cy) * cosa
    in_xy = (jnp.abs(lx) <= dx / 2.0) & (jnp.abs(ly) <= dy / 2.0)
    return in_z & in_xy


def reference(points, point_features, boxes3d):
    B, N, _ = points.shape
    M = boxes3d.shape[1]
    S = NUM_SAMPLED_POINTS
    mask = _points_in_boxes(points, boxes3d)  # [B, M, N] bool
    cnt = mask.sum(axis=-1)  # [B, M] number of points inside each box
    # stable argsort: in-box point indices first, preserving original order
    order = jnp.argsort(jnp.where(mask, 0, 1), axis=-1)  # [B, M, N]
    idx0 = order[:, :, :S]  # first S candidates
    j = jnp.arange(S)
    cnt_safe = jnp.maximum(cnt, 1)[:, :, None]
    wrap_j = j[None, None, :] % cnt_safe
    wrapped = jnp.take_along_axis(idx0, wrap_j, axis=-1)
    # if cnt < S, duplicate collected points by wrap-around (matches CUDA kernel)
    final_idx = jnp.where(j[None, None, :] < cnt[:, :, None], idx0, wrapped)  # [B, M, S]
    feats = jnp.concatenate([points, point_features], axis=-1)  # [B, N, 3+C]
    pooled = feats[jnp.arange(B)[:, None, None], final_idx]  # [B, M, S, 3+C]
    empty = cnt == 0
    pooled = jnp.where(empty[:, :, None, None], 0.0, pooled)
    return pooled, empty.astype(jnp.int32)

if __name__ == "__main__":
    import jax
    _d = setup_inputs()
    print(jax.jit(kernel)(*tuple(_d.values())))

</pallas_src>

<mosaic_0001>
#map = affine_map<(d0, d1) -> (0)>
#map1 = affine_map<(d0, d1) -> (0, 0)>
module attributes {stable_mosaic.version = 14 : i64} {
  func.func @_sc_body(%arg0: i32, %arg1: i32, %arg2: memref<131072xf32, #tpu.memory_space<hbm>>, %arg3: memref<131072xf32, #tpu.memory_space<hbm>>, %arg4: memref<131072xf32, #tpu.memory_space<hbm>>, %arg5: memref<131088x16xf32, #tpu.memory_space<hbm>>, %arg6: memref<8192xf32, #tpu.memory_space<hbm>>, %arg7: memref<524288x16xf32, #tpu.memory_space<hbm>>, %arg8: memref<1572864xf32, #tpu.memory_space<hbm>>, %arg9: memref<1024xi32, #tpu.memory_space<hbm>>, %arg10: memref<16384xf32, #tpu.memory_space<vmem>>, %arg11: memref<16384xf32, #tpu.memory_space<vmem>>, %arg12: memref<16384xf32, #tpu.memory_space<vmem>>, %arg13: memref<256xf32, #tpu.memory_space<vmem>>, %arg14: memref<528xi32, #tpu.memory_space<vmem>>, %arg15: memref<512xi32, #tpu.memory_space<vmem>>, %arg16: memref<512x16xf32, #tpu.memory_space<vmem>>, %arg17: memref<1536xf32, #tpu.memory_space<vmem>>, %arg18: memref<32xi32, #tpu.memory_space<vmem>>, %arg19: memref<!tpu.dma_semaphore, #tpu.memory_space<semaphore_mem>>) attributes {dimension_semantics = [#tpu.dimension_semantics<core_parallel>, #tpu.dimension_semantics<subcore_parallel>], iteration_bounds = array<i64: 2, 16>, scalar_prefetch = 0 : i64, scratch_operands = 10 : i64, tpu.core_type = #tpu.core_type<sc_vector_subcore>, window_params = [{transform_indices = #map}, {transform_indices = #map}, {transform_indices = #map}, {transform_indices = #map1}, {transform_indices = #map}, {transform_indices = #map1}, {transform_indices = #map}, {transform_indices = #map}]} {
    %mul3A = arith.constant 2 : i32
    %mul3A_0 = arith.muli %arg1, %mul3A : i32
    %add3A = arith.addi %mul3A_0, %arg0 : i32
    %mul3A_1 = arith.constant 32 : i32
    %mul3A_2 = arith.muli %add3A, %mul3A_1 : i32
    %jit3A = arith.constant 128 : i32
    %div3A = arith.divsi %mul3A_2, %jit3A : i32
    %sign3A = arith.constant 0 : i32
    %sign3A_3 = arith.cmpi sgt, %mul3A_2, %sign3A : i32
    %sign3A_4 = arith.extui %sign3A_3 : i1 to i32
    %sign3A_5 = arith.constant 0 : i32
    %sign3A_6 = arith.cmpi slt, %mul3A_2, %sign3A_5 : i32
    %sign3A_7 = arith.extui %sign3A_6 : i1 to i32
    %sign3A_8 = arith.subi %sign3A_4, %sign3A_7 : i32
    %sign3A_9 = arith.constant 0 : i32
    %sign3A_10 = arith.cmpi sgt, %jit3A, %sign3A_9 : i32
    %sign3A_11 = arith.extui %sign3A_10 : i1 to i32
    %sign3A_12 = arith.constant 0 : i32
    %sign3A_13 = arith.cmpi slt, %jit3A, %sign3A_12 : i32
    %sign3A_14 = arith.extui %sign3A_13 : i1 to i32
    %sign3A_15 = arith.subi %sign3A_11, %sign3A_14 : i32
    %ne3A = arith.cmpi ne, %sign3A_8, %sign3A_15 : i32
    %rem3A = arith.remsi %mul3A_2, %jit3A : i32
    %ne3A_16 = arith.constant 0 : i32
    %ne3A_17 = arith.cmpi ne, %rem3A, %ne3A_16 : i32
    %and3A = arith.andi %ne3A, %ne3A_17 : i1
    %sub3A = arith.constant 1 : i32
    %sub3A_18 = arith.subi %div3A, %sub3A : i32
    %select_n3A = arith.select %and3A, %sub3A_18, %div3A : i32
    %mul3A_19 = arith.constant 16384 : i32
    %mul3A_20 = arith.muli %select_n3A, %mul3A_19 : i32
    "tpu.region"() ({
      %run_scoped3A = tpu.sem_alloc : memref<!tpu.dma_semaphore, #tpu.memory_space<semaphore_mem>>
      %dma_start3A = tpu.memref_slice %arg2[%mul3A_20] : memref<131072xf32, #tpu.memory_space<hbm>> -> memref<16384xf32, #tpu.memory_space<hbm>>
      %dma_start3A_37 = tpu.memref_slice %arg2[%mul3A_20] : memref<131072xf32, #tpu.memory_space<hbm>> -> memref<16384xf32, #tpu.memory_space<hbm>>
      tpu.enqueue_dma source(%dma_start3A_37 : memref<16384xf32, #tpu.memory_space<hbm>>) target(%arg10 : memref<16384xf32, #tpu.memory_space<vmem>>) target_semaphore(%run_scoped3A : memref<!tpu.dma_semaphore, #tpu.memory_space<semaphore_mem>>)
      %dma_wait3A = tpu.memref_slice %arg2[%mul3A_20] : memref<131072xf32, #tpu.memory_space<hbm>> -> memref<16384xf32, #tpu.memory_space<hbm>>
      %dma_wait3A_38 = tpu.memref_slice %arg2[%mul3A_20] : memref<131072xf32, #tpu.memory_space<hbm>> -> memref<16384xf32, #tpu.memory_space<hbm>>
      tpu.wait_dma2 semaphore(%run_scoped3A : memref<!tpu.dma_semaphore, #tpu.memory_space<semaphore_mem>>) src(%dma_wait3A_38 : memref<16384xf32, #tpu.memory_space<hbm>>) dst(%arg10 : memref<16384xf32, #tpu.memory_space<vmem>>)
      tpu.yield
    }) : () -> ()
    %mul3A_21 = arith.constant 16384 : i32
    %mul3A_22 = arith.muli %select_n3A, %mul3A_21 : i32
    "tpu.region"() ({
      %run_scoped3A = tpu.sem_alloc : memref<!tpu.dma_semaphore, #tpu.memory_space<semaphore_mem>>
      %dma_start3A = tpu.memref_slice %arg3[%mul3A_22] : memref<131072xf32, #tpu.memory_space<hbm>> -> memref<16384xf32, #tpu.memory_space<hbm>>
      %dma_start3A_37 = tpu.memref_slice %arg3[%mul3A_22] : memref<131072xf32, #tpu.memory_space<hbm>> -> memref<16384xf32, #tpu.memory_space<hbm>>
      tpu.enqueue_dma source(%dma_start3A_37 : memref<16384xf32, #tpu.memory_space<hbm>>) target(%arg11 : memref<16384xf32, #tpu.memory_space<vmem>>) target_semaphore(%run_scoped3A : memref<!tpu.dma_semaphore, #tpu.memory_space<semaphore_mem>>)
      %dma_wait3A = tpu.memref_slice %arg3[%mul3A_22] : memref<131072xf32, #tpu.memory_space<hbm>> -> memref<16384xf32, #tpu.memory_space<hbm>>
      %dma_wait3A_38 = tpu.memref_slice %arg3[%mul3A_22] : memref<131072xf32, #tpu.memory_space<hbm>> -> memref<16384xf32, #tpu.memory_space<hbm>>
      tpu.wait_dma2 semaphore(%run_scoped3A : memref<!tpu.dma_semaphore, #tpu.memory_space<semaphore_mem>>) src(%dma_wait3A_38 : memref<16384xf32, #tpu.memory_space<hbm>>) dst(%arg11 : memref<16384xf32, #tpu.memory_space<vmem>>)
      tpu.yield
    }) : () -> ()
    %mul3A_23 = arith.constant 16384 : i32
    %mul3A_24 = arith.muli %select_n3A, %mul3A_23 : i32
    "tpu.region"() ({
      %run_scoped3A = tpu.sem_alloc : memref<!tpu.dma_semaphore, #tpu.memory_space<semaphore_mem>>
      %dma_start3A = tpu.memref_slice %arg4[%mul3A_24] : memref<131072xf32, #tpu.memory_space<hbm>> -> memref<16384xf32, #tpu.memory_space<hbm>>
      %dma_start3A_37 = tpu.memref_slice %arg4[%mul3A_24] : memref<131072xf32, #tpu.memory_space<hbm>> -> memref<16384xf32, #tpu.memory_space<hbm>>
      tpu.enqueue_dma source(%dma_start3A_37 : memref<16384xf32, #tpu.memory_space<hbm>>) target(%arg12 : memref<16384xf32, #tpu.memory_space<vmem>>) target_semaphore(%run_scoped3A : memref<!tpu.dma_semaphore, #tpu.memory_space<semaphore_mem>>)
      %dma_wait3A = tpu.memref_slice %arg4[%mul3A_24] : memref<131072xf32, #tpu.memory_space<hbm>> -> memref<16384xf32, #tpu.memory_space<hbm>>
      %dma_wait3A_38 = tpu.memref_slice %arg4[%mul3A_24] : memref<131072xf32, #tpu.memory_space<hbm>> -> memref<16384xf32, #tpu.memory_space<hbm>>
      tpu.wait_dma2 semaphore(%run_scoped3A : memref<!tpu.dma_semaphore, #tpu.memory_space<semaphore_mem>>) src(%dma_wait3A_38 : memref<16384xf32, #tpu.memory_space<hbm>>) dst(%arg12 : memref<16384xf32, #tpu.memory_space<vmem>>)
      tpu.yield
    }) : () -> ()
    %mul3A_25 = arith.constant 8 : i32
    %mul3A_26 = arith.muli %mul3A_2, %mul3A_25 : i32
    "tpu.region"() ({
      %run_scoped3A = tpu.sem_alloc : memref<!tpu.dma_semaphore, #tpu.memory_space<semaphore_mem>>
      %dma_start3A = tpu.memref_slice %arg6[%mul3A_26] : memref<8192xf32, #tpu.memory_space<hbm>> -> memref<256xf32, #tpu.memory_space<hbm>>
      %dma_start3A_37 = tpu.memref_slice %arg6[%mul3A_26] : memref<8192xf32, #tpu.memory_space<hbm>> -> memref<256xf32, #tpu.memory_space<hbm>>
      tpu.enqueue_dma source(%dma_start3A_37 : memref<256xf32, #tpu.memory_space<hbm>>) target(%arg13 : memref<256xf32, #tpu.memory_space<vmem>>) target_semaphore(%run_scoped3A : memref<!tpu.dma_semaphore, #tpu.memory_space<semaphore_mem>>)
      %dma_wait3A = tpu.memref_slice %arg6[%mul3A_26] : memref<8192xf32, #tpu.memory_space<hbm>> -> memref<256xf32, #tpu.memory_space<hbm>>
      %dma_wait3A_38 = tpu.memref_slice %arg6[%mul3A_26] : memref<8192xf32, #tpu.memory_space<hbm>> -> memref<256xf32, #tpu.memory_space<hbm>>
      tpu.wait_dma2 semaphore(%run_scoped3A : memref<!tpu.dma_semaphore, #tpu.memory_space<semaphore_mem>>) src(%dma_wait3A_38 : memref<256xf32, #tpu.memory_space<hbm>>) dst(%arg13 : memref<256xf32, #tpu.memory_space<vmem>>)
      tpu.yield
    }) : () -> ()
    %iota3A = tpu.iota {dimensions = array<i32: 0>} : vector<16xi32>
    %eq3A = arith.constant 0 : i32
    %eq3A_27 = vector.broadcast %eq3A : i32 to vector<16xi32>
    %eq3A_28 = arith.cmpi eq, %iota3A, %eq3A_27 : vector<16xi32>
    %mul3A_29 = arith.constant 16384 : i32
    %mul3A_30 = arith.muli %select_n3A, %mul3A_29 : i32
    %scan3A = arith.constant 0 : i32
    %scan3A_31 = arith.constant 0 : i32
    %scan3A_32 = arith.constant 32 : i32
    %scan3A_33 = arith.addi %scan3A_31, %scan3A_32 : i32
    %scan3A_34 = arith.constant 1 : i32
    %scan3A_35 = scf.for %scan3A_37 = %scan3A_31 to %scan3A_33 step %scan3A_34 iter_args(%scan3A_38 = %scan3A) -> (i32)  : i32 {
      %mul3A_39 = arith.constant 8 : i32
      %mul3A_40 = arith.muli %scan3A_37, %mul3A_39 : i32
      %add3A_41 = arith.constant 0 : i32
      %add3A_42 = arith.addi %mul3A_40, %add3A_41 : i32
      %broadcast_in_dim3A = vector.broadcast %add3A_42 : i32 to vector<16xi32>
      %gather3A = tpu.vector_load_idx %arg13[%broadcast_in_dim3A] : memref<256xf32, #tpu.memory_space<vmem>>[vector<16xi32>], vector<16xf32>,
      %mul3A_43 = arith.constant 8 : i32
      %mul3A_44 = arith.muli %scan3A_37, %mul3A_43 : i32
      %add3A_45 = arith.constant 1 : i32
      %add3A_46 = arith.addi %mul3A_44, %add3A_45 : i32
      %broadcast_in_dim3A_47 = vector.broadcast %add3A_46 : i32 to vector<16xi32>
      %gather3A_48 = tpu.vector_load_idx %arg13[%broadcast_in_dim3A_47] : memref<256xf32, #tpu.memory_space<vmem>>[vector<16xi32>], vector<16xf32>,
      %mul3A_49 = arith.constant 8 : i32
      %mul3A_50 = arith.muli %scan3A_37, %mul3A_49 : i32
      %add3A_51 = arith.constant 2 : i32
      %add3A_52 = arith.addi %mul3A_50, %add3A_51 : i32
      %broadcast_in_dim3A_53 = vector.broadcast %add3A_52 : i32 to vector<16xi32>
      %gather3A_54 = tpu.vector_load_idx %arg13[%broadcast_in_dim3A_53] : memref<256xf32, #tpu.memory_space<vmem>>[vector<16xi32>], vector<16xf32>,
      %mul3A_55 = arith.constant 8 : i32
      %mul3A_56 = arith.muli %scan3A_37, %mul3A_55 : i32
      %add3A_57 = arith.constant 3 : i32
      %add3A_58 = arith.addi %mul3A_56, %add3A_57 : i32
      %broadcast_in_dim3A_59 = vector.broadcast %add3A_58 : i32 to vector<16xi32>
      %gather3A_60 = tpu.vector_load_idx %arg13[%broadcast_in_dim3A_59] : memref<256xf32, #tpu.memory_space<vmem>>[vector<16xi32>], vector<16xf32>,
      %mul3A_61 = arith.constant 8 : i32
      %mul3A_62 = arith.muli %scan3A_37, %mul3A_61 : i32
      %add3A_63 = arith.constant 4 : i32
      %add3A_64 = arith.addi %mul3A_62, %add3A_63 : i32
      %broadcast_in_dim3A_65 = vector.broadcast %add3A_64 : i32 to vector<16xi32>
      %gather3A_66 = tpu.vector_load_idx %arg13[%broadcast_in_dim3A_65] : memref<256xf32, #tpu.memory_space<vmem>>[vector<16xi32>], vector<16xf32>,
      %mul3A_67 = arith.constant 8 : i32
      %mul3A_68 = arith.muli %scan3A_37, %mul3A_67 : i32
      %add3A_69 = arith.constant 5 : i32
      %add3A_70 = arith.addi %mul3A_68, %add3A_69 : i32
      %broadcast_in_dim3A_71 = vector.broadcast %add3A_70 : i32 to vector<16xi32>
      %gather3A_72 = tpu.vector_load_idx %arg13[%broadcast_in_dim3A_71] : memref<256xf32, #tpu.memory_space<vmem>>[vector<16xi32>], vector<16xf32>,
      %mul3A_73 = arith.constant 8 : i32
      %mul3A_74 = arith.muli %scan3A_37, %mul3A_73 : i32
      %add3A_75 = arith.constant 6 : i32
      %add3A_76 = arith.addi %mul3A_74, %add3A_75 : i32
      %broadcast_in_dim3A_77 = vector.broadcast %add3A_76 : i32 to vector<16xi32>
      %gather3A_78 = tpu.vector_load_idx %arg13[%broadcast_in_dim3A_77] : memref<256xf32, #tpu.memory_space<vmem>>[vector<16xi32>], vector<16xf32>,
      %mul3A_79 = arith.constant 8 : i32
      %mul3A_80 = arith.muli %scan3A_37, %mul3A_79 : i32
      %add3A_81 = arith.constant 7 : i32
      %add3A_82 = arith.addi %mul3A_80, %add3A_81 : i32
      %broadcast_in_dim3A_83 = vector.broadcast %add3A_82 : i32 to vector<16xi32>
      %gather3A_84 = tpu.vector_load_idx %arg13[%broadcast_in_dim3A_83] : memref<256xf32, #tpu.memory_space<vmem>>[vector<16xi32>], vector<16xf32>,
      %parallel_loop3A = arith.constant 0 : i32
      %parallel_loop3A_85 = arith.constant 16384 : i32
      %parallel_loop3A_86 = arith.constant 16 : i32
      %parallel_loop3A_87 = arith.constant 0 : i32
      %parallel_loop3A_88 = scf.for %parallel_loop3A_175 = %parallel_loop3A to %parallel_loop3A_85 step %parallel_loop3A_86 iter_args(%parallel_loop3A_176 = %parallel_loop3A_87) -> (i32)  : i32 {
        %parallel_loop3A_177 = arith.index_cast %parallel_loop3A_175 : i32 to index
        %parallel_loop3A_178 = tpu.vector_load %arg10[%parallel_loop3A_177] {strides = array<i32>} : memref<16384xf32, #tpu.memory_space<vmem>>, vector<16xf32>,
        %parallel_loop3A_179 = arith.index_cast %parallel_loop3A_175 : i32 to index
        %parallel_loop3A_180 = tpu.vector_load %arg11[%parallel_loop3A_179] {strides = array<i32>} : memref<16384xf32, #tpu.memory_space<vmem>>, vector<16xf32>,
        %parallel_loop3A_181 = arith.index_cast %parallel_loop3A_175 : i32 to index
        %parallel_loop3A_182 = tpu.vector_load %arg12[%parallel_loop3A_181] {strides = array<i32>} : memref<16384xf32, #tpu.memory_space<vmem>>, vector<16xf32>,
        %parallel_loop3A_183 = arith.subf %parallel_loop3A_178, %gather3A : vector<16xf32>
        %parallel_loop3A_184 = arith.subf %parallel_loop3A_180, %gather3A_48 : vector<16xf32>
        %parallel_loop3A_185 = arith.mulf %parallel_loop3A_183, %gather3A_78 : vector<16xf32>
        %parallel_loop3A_186 = arith.mulf %parallel_loop3A_184, %gather3A_84 : vector<16xf32>
        %parallel_loop3A_187 = arith.addf %parallel_loop3A_185, %parallel_loop3A_186 : vector<16xf32>
        %parallel_loop3A_188 = arith.mulf %parallel_loop3A_184, %gather3A_78 : vector<16xf32>
        %parallel_loop3A_189 = arith.mulf %parallel_loop3A_183, %gather3A_84 : vector<16xf32>
        %parallel_loop3A_190 = arith.subf %parallel_loop3A_188, %parallel_loop3A_189 : vector<16xf32>
        %parallel_loop3A_191 = arith.subf %parallel_loop3A_182, %gather3A_54 : vector<16xf32>
        %parallel_loop3A_192 = math.absf %parallel_loop3A_191 : vector<16xf32>
        %parallel_loop3A_193 = arith.cmpf ole, %parallel_loop3A_192, %gather3A_72 : vector<16xf32>
        %parallel_loop3A_194 = math.absf %parallel_loop3A_187 : vector<16xf32>
        %parallel_loop3A_195 = arith.cmpf ole, %parallel_loop3A_194, %gather3A_60 : vector<16xf32>
        %parallel_loop3A_196 = arith.andi %parallel_loop3A_193, %parallel_loop3A_195 : vector<16xi1>
        %parallel_loop3A_197 = math.absf %parallel_loop3A_190 : vector<16xf32>
        %parallel_loop3A_198 = arith.cmpf ole, %parallel_loop3A_197, %gather3A_66 : vector<16xf32>
        %parallel_loop3A_199 = arith.andi %parallel_loop3A_196, %parallel_loop3A_198 : vector<16xi1>
        %parallel_loop3A_200 = vector.broadcast %parallel_loop3A_175 : i32 to vector<16xi32>
        %parallel_loop3A_201 = arith.addi %parallel_loop3A_200, %iota3A : vector<16xi32>
        %parallel_loop3A_202 = arith.index_cast %parallel_loop3A_176 : i32 to index
        %parallel_loop3A_203 = tpu.vector_load %arg14[%parallel_loop3A_202] masked %parallel_loop3A_199 {strides = array<i32>} : memref<528xi32, #tpu.memory_space<vmem>>, vector<16xi32>, vector<16xi1>
        tpu.vector_store %arg14[%parallel_loop3A_202], %parallel_loop3A_201 masked %parallel_loop3A_199 {strides = array<i32>} : memref<528xi32, #tpu.memory_space<vmem>>, vector<16xi32>, vector<16xi1>
        %parallel_loop3A_204 = tpu.all_reduce %parallel_loop3A_199 {dim = 0 : i64, kind = #tpu.reduction_kind<sum>} : vector<16xi1> -> vector<16xi32>
        %parallel_loop3A_205 = vector.extract_strided_slice %parallel_loop3A_204 {offsets = [0], sizes = [1], strides = [1]} : vector<16xi32> to vector<1xi32>
        %parallel_loop3A_206 = vector.extract %parallel_loop3A_205[0] : i32 from vector<1xi32>
        %parallel_loop3A_207 = arith.addi %parallel_loop3A_176, %parallel_loop3A_206 : i32
        %parallel_loop3A_208 = arith.constant 512 : i32
        %parallel_loop3A_209 = arith.minsi %parallel_loop3A_207, %parallel_loop3A_208 : i32
        scf.yield %parallel_loop3A_209 : i32
      } {sc.loop_unroll_factor = 8 : i64, sc.parallel_access}
      %broadcast_in_dim3A_89 = vector.broadcast %parallel_loop3A_88 : i32 to vector<16xi32>
      %eq3A_90 = arith.constant 0 : i32
      %eq3A_91 = vector.broadcast %eq3A_90 : i32 to vector<16xi32>
      %eq3A_92 = arith.cmpi eq, %broadcast_in_dim3A_89, %eq3A_91 : vector<16xi32>
      %max3A = arith.constant 1 : i32
      %max3A_93 = vector.broadcast %max3A : i32 to vector<16xi32>
      %max3A_94 = arith.maxsi %broadcast_in_dim3A_89, %max3A_93 : vector<16xi32>
      %jit3A_95 = arith.constant 0.000000e+00 : f32
      %jit3A_96 = arith.constant 1.000000e+00 : f32
      %broadcast_in_dim3A_97 = vector.broadcast %jit3A_95 : f32 to vector<16xf32>
      %broadcast_in_dim3A_98 = vector.broadcast %jit3A_96 : f32 to vector<16xf32>
      %select_n3A_99 = arith.select %eq3A_92, %broadcast_in_dim3A_97, %broadcast_in_dim3A_98 : vector<16xi1>, vector<16xf32>
      %parallel_loop3A_100 = arith.constant 0 : i32
      %parallel_loop3A_101 = arith.constant 512 : i32
      %parallel_loop3A_102 = arith.constant 16 : i32
      scf.for %parallel_loop3A_175 = %parallel_loop3A_100 to %parallel_loop3A_101 step %parallel_loop3A_102  : i32 {
        %parallel_loop3A_176 = vector.broadcast %parallel_loop3A_175 : i32 to vector<16xi32>
        %parallel_loop3A_177 = arith.addi %parallel_loop3A_176, %iota3A : vector<16xi32>
        %parallel_loop3A_178 = arith.remsi %parallel_loop3A_177, %max3A_94 : vector<16xi32>
        %parallel_loop3A_179 = tpu.vector_load_idx %arg14[%parallel_loop3A_178] : memref<528xi32, #tpu.memory_space<vmem>>[vector<16xi32>], vector<16xi32>,
        %parallel_loop3A_180 = arith.constant 0 : i32
        %parallel_loop3A_181 = vector.broadcast %parallel_loop3A_180 : i32 to vector<16xi32>
        %parallel_loop3A_182 = arith.select %eq3A_92, %parallel_loop3A_181, %parallel_loop3A_179 : vector<16xi1>, vector<16xi32>
        %parallel_loop3A_183 = vector.broadcast %mul3A_30 : i32 to vector<16xi32>
        %parallel_loop3A_184 = arith.addi %parallel_loop3A_182, %parallel_loop3A_183 : vector<16xi32>
        %parallel_loop3A_185 = arith.constant 131072 : i32
        %parallel_loop3A_186 = vector.broadcast %parallel_loop3A_185 : i32 to vector<16xi32>
        %parallel_loop3A_187 = arith.select %eq3A_92, %parallel_loop3A_186, %parallel_loop3A_184 : vector<16xi1>, vector<16xi32>
        %parallel_loop3A_188 = arith.index_cast %parallel_loop3A_175 : i32 to index
        %parallel_loop3A_189 = tpu.vector_load %arg15[%parallel_loop3A_188] {strides = array<i32>} : memref<512xi32, #tpu.memory_space<vmem>>, vector<16xi32>,
        tpu.vector_store %arg15[%parallel_loop3A_188], %parallel_loop3A_187 {strides = array<i32>} : memref<512xi32, #tpu.memory_space<vmem>>, vector<16xi32>,
        %parallel_loop3A_190 = tpu.vector_load_idx %arg10[%parallel_loop3A_182] : memref<16384xf32, #tpu.memory_space<vmem>>[vector<16xi32>], vector<16xf32>,
        %parallel_loop3A_191 = arith.mulf %parallel_loop3A_190, %select_n3A_99 : vector<16xf32>
        %parallel_loop3A_192 = arith.index_cast %parallel_loop3A_175 : i32 to index
        %parallel_loop3A_193 = tpu.vector_load %arg17[%parallel_loop3A_192] {strides = array<i32>} : memref<1536xf32, #tpu.memory_space<vmem>>, vector<16xf32>,
        tpu.vector_store %arg17[%parallel_loop3A_192], %parallel_loop3A_191 {strides = array<i32>} : memref<1536xf32, #tpu.memory_space<vmem>>, vector<16xf32>,
        %parallel_loop3A_194 = tpu.vector_load_idx %arg11[%parallel_loop3A_182] : memref<16384xf32, #tpu.memory_space<vmem>>[vector<16xi32>], vector<16xf32>,
        %parallel_loop3A_195 = arith.mulf %parallel_loop3A_194, %select_n3A_99 : vector<16xf32>
        %parallel_loop3A_196 = arith.constant 512 : i32
        %parallel_loop3A_197 = arith.addi %parallel_loop3A_196, %parallel_loop3A_175 : i32
        %parallel_loop3A_198 = arith.index_cast %parallel_loop3A_197 : i32 to index
        %parallel_loop3A_199 = tpu.vector_load %arg17[%parallel_loop3A_198] {strides = array<i32>} : memref<1536xf32, #tpu.memory_space<vmem>>, vector<16xf32>,
        tpu.vector_store %arg17[%parallel_loop3A_198], %parallel_loop3A_195 {strides = array<i32>} : memref<1536xf32, #tpu.memory_space<vmem>>, vector<16xf32>,
        %parallel_loop3A_200 = tpu.vector_load_idx %arg12[%parallel_loop3A_182] : memref<16384xf32, #tpu.memory_space<vmem>>[vector<16xi32>], vector<16xf32>,
        %parallel_loop3A_201 = arith.mulf %parallel_loop3A_200, %select_n3A_99 : vector<16xf32>
        %parallel_loop3A_202 = arith.constant 1024 : i32
        %parallel_loop3A_203 = arith.addi %parallel_loop3A_202, %parallel_loop3A_175 : i32
        %parallel_loop3A_204 = arith.index_cast %parallel_loop3A_203 : i32 to index
        %parallel_loop3A_205 = tpu.vector_load %arg17[%parallel_loop3A_204] {strides = array<i32>} : memref<1536xf32, #tpu.memory_space<vmem>>, vector<16xf32>,
        tpu.vector_store %arg17[%parallel_loop3A_204], %parallel_loop3A_201 {strides = array<i32>} : memref<1536xf32, #tpu.memory_space<vmem>>, vector<16xf32>,
      } {sc.loop_unroll_factor = 4 : i64, sc.parallel_access}
      %dma_start3A = arith.constant 0 : i32
      %dma_start3A_103 = arith.constant 0 : i32
      %dma_start3A_104 = tpu.memref_slice %arg16[%dma_start3A, %dma_start3A_103] : memref<512x16xf32, #tpu.memory_space<vmem>> -> memref<128x16xf32, #tpu.memory_space<vmem>>
      %dma_start3A_105 = arith.constant 0 : i32
      %dma_start3A_106 = tpu.memref_slice %arg15[%dma_start3A_105] : memref<512xi32, #tpu.memory_space<vmem>> -> memref<128xi32, #tpu.memory_space<vmem>>
      %dma_start3A_107 = arith.constant 0 : i32
      %dma_start3A_108 = arith.constant 0 : i32
      %dma_start3A_109 = tpu.memref_slice %arg5[%dma_start3A_107, %dma_start3A_108] : memref<131088x16xf32, #tpu.memory_space<hbm>> -> memref<131088x16xf32, #tpu.memory_space<hbm>>
      tpu.enqueue_indirect_dma source(%dma_start3A_109 : memref<131088x16xf32, #tpu.memory_space<hbm>>) target(%dma_start3A_104 : memref<128x16xf32, #tpu.memory_space<vmem>>) offsets(%dma_start3A_106 : memref<128xi32, #tpu.memory_space<vmem>>) semaphore(%arg19 : memref<!tpu.dma_semaphore, #tpu.memory_space<semaphore_mem>>)
      %dma_start3A_110 = arith.constant 128 : i32
      %dma_start3A_111 = arith.constant 0 : i32
      %dma_start3A_112 = tpu.memref_slice %arg16[%dma_start3A_110, %dma_start3A_111] : memref<512x16xf32, #tpu.memory_space<vmem>> -> memref<128x16xf32, #tpu.memory_space<vmem>>
      %dma_start3A_113 = arith.constant 128 : i32
      %dma_start3A_114 = tpu.memref_slice %arg15[%dma_start3A_113] : memref<512xi32, #tpu.memory_space<vmem>> -> memref<128xi32, #tpu.memory_space<vmem>>
      %dma_start3A_115 = arith.constant 0 : i32
      %dma_start3A_116 = arith.constant 0 : i32
      %dma_start3A_117 = tpu.memref_slice %arg5[%dma_start3A_115, %dma_start3A_116] : memref<131088x16xf32, #tpu.memory_space<hbm>> -> memref<131088x16xf32, #tpu.memory_space<hbm>>
      tpu.enqueue_indirect_dma source(%dma_start3A_117 : memref<131088x16xf32, #tpu.memory_space<hbm>>) target(%dma_start3A_112 : memref<128x16xf32, #tpu.memory_space<vmem>>) offsets(%dma_start3A_114 : memref<128xi32, #tpu.memory_space<vmem>>) semaphore(%arg19 : memref<!tpu.dma_semaphore, #tpu.memory_space<semaphore_mem>>)
      %dma_start3A_118 = arith.constant 256 : i32
      %dma_start3A_119 = arith.constant 0 : i32
      %dma_start3A_120 = tpu.memref_slice %arg16[%dma_start3A_118, %dma_start3A_119] : memref<512x16xf32, #tpu.memory_space<vmem>> -> memref<128x16xf32, #tpu.memory_space<vmem>>
      %dma_start3A_121 = arith.constant 256 : i32
      %dma_start3A_122 = tpu.memref_slice %arg15[%dma_start3A_121] : memref<512xi32, #tpu.memory_space<vmem>> -> memref<128xi32, #tpu.memory_space<vmem>>
      %dma_start3A_123 = arith.constant 0 : i32
      %dma_start3A_124 = arith.constant 0 : i32
      %dma_start3A_125 = tpu.memref_slice %arg5[%dma_start3A_123, %dma_start3A_124] : memref<131088x16xf32, #tpu.memory_space<hbm>> -> memref<131088x16xf32, #tpu.memory_space<hbm>>
      tpu.enqueue_indirect_dma source(%dma_start3A_125 : memref<131088x16xf32, #tpu.memory_space<hbm>>) target(%dma_start3A_120 : memref<128x16xf32, #tpu.memory_space<vmem>>) offsets(%dma_start3A_122 : memref<128xi32, #tpu.memory_space<vmem>>) semaphore(%arg19 : memref<!tpu.dma_semaphore, #tpu.memory_space<semaphore_mem>>)
      %dma_start3A_126 = arith.constant 384 : i32
      %dma_start3A_127 = arith.constant 0 : i32
      %dma_start3A_128 = tpu.memref_slice %arg16[%dma_start3A_126, %dma_start3A_127] : memref<512x16xf32, #tpu.memory_space<vmem>> -> memref<128x16xf32, #tpu.memory_space<vmem>>
      %dma_start3A_129 = arith.constant 384 : i32
      %dma_start3A_130 = tpu.memref_slice %arg15[%dma_start3A_129] : memref<512xi32, #tpu.memory_space<vmem>> -> memref<128xi32, #tpu.memory_space<vmem>>
      %dma_start3A_131 = arith.constant 0 : i32
      %dma_start3A_132 = arith.constant 0 : i32
      %dma_start3A_133 = tpu.memref_slice %arg5[%dma_start3A_131, %dma_start3A_132] : memref<131088x16xf32, #tpu.memory_space<hbm>> -> memref<131088x16xf32, #tpu.memory_space<hbm>>
      tpu.enqueue_indirect_dma source(%dma_start3A_133 : memref<131088x16xf32, #tpu.memory_space<hbm>>) target(%dma_start3A_128 : memref<128x16xf32, #tpu.memory_space<vmem>>) offsets(%dma_start3A_130 : memref<128xi32, #tpu.memory_space<vmem>>) semaphore(%arg19 : memref<!tpu.dma_semaphore, #tpu.memory_space<semaphore_mem>>)
      %dma_wait3A = arith.constant 0 : i32
      %dma_wait3A_134 = arith.constant 0 : i32
      %dma_wait3A_135 = tpu.memref_slice %arg16[%dma_wait3A, %dma_wait3A_134] : memref<512x16xf32, #tpu.memory_space<vmem>> -> memref<128x16xf32, #tpu.memory_space<vmem>>
      %dma_wait3A_136 = arith.constant 0 : i32
      %dma_wait3A_137 = tpu.memref_slice %arg15[%dma_wait3A_136] : memref<512xi32, #tpu.memory_space<vmem>> -> memref<128xi32, #tpu.memory_space<vmem>>
      %dma_wait3A_138 = arith.constant 0 : i32
      %dma_wait3A_139 = arith.constant 0 : i32
      %dma_wait3A_140 = tpu.memref_slice %arg5[%dma_wait3A_138, %dma_wait3A_139] : memref<131088x16xf32, #tpu.memory_space<hbm>> -> memref<131088x16xf32, #tpu.memory_space<hbm>>
      tpu.wait_indirect_dma semaphore(%arg19 : memref<!tpu.dma_semaphore, #tpu.memory_space<semaphore_mem>>) src(%dma_wait3A_140 : memref<131088x16xf32, #tpu.memory_space<hbm>>) dst(%dma_wait3A_135 : memref<128x16xf32, #tpu.memory_space<vmem>>)
      %dma_wait3A_141 = arith.constant 128 : i32
      %dma_wait3A_142 = arith.constant 0 : i32
      %dma_wait3A_143 = tpu.memref_slice %arg16[%dma_wait3A_141, %dma_wait3A_142] : memref<512x16xf32, #tpu.memory_space<vmem>> -> memref<128x16xf32, #tpu.memory_space<vmem>>
      %dma_wait3A_144 = arith.constant 128 : i32
      %dma_wait3A_145 = tpu.memref_slice %arg15[%dma_wait3A_144] : memref<512xi32, #tpu.memory_space<vmem>> -> memref<128xi32, #tpu.memory_space<vmem>>
      %dma_wait3A_146 = arith.constant 0 : i32
      %dma_wait3A_147 = arith.constant 0 : i32
      %dma_wait3A_148 = tpu.memref_slice %arg5[%dma_wait3A_146, %dma_wait3A_147] : memref<131088x16xf32, #tpu.memory_space<hbm>> -> memref<131088x16xf32, #tpu.memory_space<hbm>>
      tpu.wait_indirect_dma semaphore(%arg19 : memref<!tpu.dma_semaphore, #tpu.memory_space<semaphore_mem>>) src(%dma_wait3A_148 : memref<131088x16xf32, #tpu.memory_space<hbm>>) dst(%dma_wait3A_143 : memref<128x16xf32, #tpu.memory_space<vmem>>)
      %dma_wait3A_149 = arith.constant 256 : i32
      %dma_wait3A_150 = arith.constant 0 : i32
      %dma_wait3A_151 = tpu.memref_slice %arg16[%dma_wait3A_149, %dma_wait3A_150] : memref<512x16xf32, #tpu.memory_space<vmem>> -> memref<128x16xf32, #tpu.memory_space<vmem>>
      %dma_wait3A_152 = arith.constant 256 : i32
      %dma_wait3A_153 = tpu.memref_slice %arg15[%dma_wait3A_152] : memref<512xi32, #tpu.memory_space<vmem>> -> memref<128xi32, #tpu.memory_space<vmem>>
      %dma_wait3A_154 = arith.constant 0 : i32
      %dma_wait3A_155 = arith.constant 0 : i32
      %dma_wait3A_156 = tpu.memref_slice %arg5[%dma_wait3A_154, %dma_wait3A_155] : memref<131088x16xf32, #tpu.memory_space<hbm>> -> memref<131088x16xf32, #tpu.memory_space<hbm>>
      tpu.wait_indirect_dma semaphore(%arg19 : memref<!tpu.dma_semaphore, #tpu.memory_space<semaphore_mem>>) src(%dma_wait3A_156 : memref<131088x16xf32, #tpu.memory_space<hbm>>) dst(%dma_wait3A_151 : memref<128x16xf32, #tpu.memory_space<vmem>>)
      %dma_wait3A_157 = arith.constant 384 : i32
      %dma_wait3A_158 = arith.constant 0 : i32
      %dma_wait3A_159 = tpu.memref_slice %arg16[%dma_wait3A_157, %dma_wait3A_158] : memref<512x16xf32, #tpu.memory_space<vmem>> -> memref<128x16xf32, #tpu.memory_space<vmem>>
      %dma_wait3A_160 = arith.constant 384 : i32
      %dma_wait3A_161 = tpu.memref_slice %arg15[%dma_wait3A_160] : memref<512xi32, #tpu.memory_space<vmem>> -> memref<128xi32, #tpu.memory_space<vmem>>
      %dma_wait3A_162 = arith.constant 0 : i32
      %dma_wait3A_163 = arith.constant 0 : i32
      %dma_wait3A_164 = tpu.memref_slice %arg5[%dma_wait3A_162, %dma_wait3A_163] : memref<131088x16xf32, #tpu.memory_space<hbm>> -> memref<131088x16xf32, #tpu.memory_space<hbm>>
      tpu.wait_indirect_dma semaphore(%arg19 : memref<!tpu.dma_semaphore, #tpu.memory_space<semaphore_mem>>) src(%dma_wait3A_164 : memref<131088x16xf32, #tpu.memory_space<hbm>>) dst(%dma_wait3A_159 : memref<128x16xf32, #tpu.memory_space<vmem>>)
      %add3A_165 = arith.addi %mul3A_2, %scan3A_37 : i32
      %mul3A_166 = arith.constant 512 : i32
      %mul3A_167 = arith.muli %add3A_165, %mul3A_166 : i32
      "tpu.region"() ({
        %run_scoped3A = tpu.sem_alloc : memref<!tpu.dma_semaphore, #tpu.memory_space<semaphore_mem>>
        %dma_start3A_175 = arith.constant 0 : i32
        %dma_start3A_176 = tpu.memref_slice %arg7[%mul3A_167, %dma_start3A_175] : memref<524288x16xf32, #tpu.memory_space<hbm>> -> memref<512x16xf32, #tpu.memory_space<hbm>>
        %dma_start3A_177 = arith.constant 0 : i32
        %dma_start3A_178 = tpu.memref_slice %arg7[%mul3A_167, %dma_start3A_177] : memref<524288x16xf32, #tpu.memory_space<hbm>> -> memref<512x16xf32, #tpu.memory_space<hbm>>
        tpu.enqueue_dma source(%arg16 : memref<512x16xf32, #tpu.memory_space<vmem>>) target(%dma_start3A_178 : memref<512x16xf32, #tpu.memory_space<hbm>>) target_semaphore(%run_scoped3A : memref<!tpu.dma_semaphore, #tpu.memory_space<semaphore_mem>>)
        %dma_wait3A_179 = arith.constant 0 : i32
        %dma_wait3A_180 = tpu.memref_slice %arg7[%mul3A_167, %dma_wait3A_179] : memref<524288x16xf32, #tpu.memory_space<hbm>> -> memref<512x16xf32, #tpu.memory_space<hbm>>
        %dma_wait3A_181 = arith.constant 0 : i32
        %dma_wait3A_182 = tpu.memref_slice %arg7[%mul3A_167, %dma_wait3A_181] : memref<524288x16xf32, #tpu.memory_space<hbm>> -> memref<512x16xf32, #tpu.memory_space<hbm>>
        tpu.wait_dma2 semaphore(%run_scoped3A : memref<!tpu.dma_semaphore, #tpu.memory_space<semaphore_mem>>) src(%arg16 : memref<512x16xf32, #tpu.memory_space<vmem>>) dst(%dma_wait3A_182 : memref<512x16xf32, #tpu.memory_space<hbm>>)
        tpu.yield
      }) : () -> ()
      %add3A_168 = arith.addi %mul3A_2, %scan3A_37 : i32
      %mul3A_169 = arith.constant 3 : i32
      %mul3A_170 = arith.muli %add3A_168, %mul3A_169 : i32
      %mul3A_171 = arith.constant 512 : i32
      %mul3A_172 = arith.muli %mul3A_170, %mul3A_171 : i32
      "tpu.region"() ({
        %run_scoped3A = tpu.sem_alloc : memref<!tpu.dma_semaphore, #tpu.memory_space<semaphore_mem>>
        %dma_start3A_175 = tpu.memref_slice %arg8[%mul3A_172] : memref<1572864xf32, #tpu.memory_space<hbm>> -> memref<1536xf32, #tpu.memory_space<hbm>>
        %dma_start3A_176 = tpu.memref_slice %arg8[%mul3A_172] : memref<1572864xf32, #tpu.memory_space<hbm>> -> memref<1536xf32, #tpu.memory_space<hbm>>
        tpu.enqueue_dma source(%arg17 : memref<1536xf32, #tpu.memory_space<vmem>>) target(%dma_start3A_176 : memref<1536xf32, #tpu.memory_space<hbm>>) target_semaphore(%run_scoped3A : memref<!tpu.dma_semaphore, #tpu.memory_space<semaphore_mem>>)
        %dma_wait3A_177 = tpu.memref_slice %arg8[%mul3A_172] : memref<1572864xf32, #tpu.memory_space<hbm>> -> memref<1536xf32, #tpu.memory_space<hbm>>
        %dma_wait3A_178 = tpu.memref_slice %arg8[%mul3A_172] : memref<1572864xf32, #tpu.memory_space<hbm>> -> memref<1536xf32, #tpu.memory_space<hbm>>
        tpu.wait_dma2 semaphore(%run_scoped3A : memref<!tpu.dma_semaphore, #tpu.memory_space<semaphore_mem>>) src(%arg17 : memref<1536xf32, #tpu.memory_space<vmem>>) dst(%dma_wait3A_178 : memref<1536xf32, #tpu.memory_space<hbm>>)
        tpu.yield
      }) : () -> ()
      %broadcast_in_dim3A_173 = vector.broadcast %scan3A_37 : i32 to vector<16xi32>
      %convert_element_type3A = arith.extui %eq3A_92 : vector<16xi1> to vector<16xi32>
      tpu.vector_store_idx %arg18[%broadcast_in_dim3A_173], %convert_element_type3A masked %eq3A_28 : memref<32xi32, #tpu.memory_space<vmem>>[vector<16xi32>], vector<16xi32>, vector<16xi1>
      %scan3A_174 = arith.constant 0 : i32
      scf.yield %scan3A_174 : i32
    }
    %scan3A_36 = arith.constant 32 : i32
    "tpu.region"() ({
      %run_scoped3A = tpu.sem_alloc : memref<!tpu.dma_semaphore, #tpu.memory_space<semaphore_mem>>
      %dma_start3A = tpu.memref_slice %arg9[%mul3A_2] : memref<1024xi32, #tpu.memory_space<hbm>> -> memref<32xi32, #tpu.memory_space<hbm>>
      %dma_start3A_37 = tpu.memref_slice %arg9[%mul3A_2] : memref<1024xi32, #tpu.memory_space<hbm>> -> memref<32xi32, #tpu.memory_space<hbm>>
      tpu.enqueue_dma source(%arg18 : memref<32xi32, #tpu.memory_space<vmem>>) target(%dma_start3A_37 : memref<32xi32, #tpu.memory_space<hbm>>) target_semaphore(%run_scoped3A : memref<!tpu.dma_semaphore, #tpu.memory_space<semaphore_mem>>)
      %dma_wait3A = tpu.memref_slice %arg9[%mul3A_2] : memref<1024xi32, #tpu.memory_space<hbm>> -> memref<32xi32, #tpu.memory_space<hbm>>
      %dma_wait3A_38 = tpu.memref_slice %arg9[%mul3A_2] : memref<1024xi32, #tpu.memory_space<hbm>> -> memref<32xi32, #tpu.memory_space<hbm>>
      tpu.wait_dma2 semaphore(%run_scoped3A : memref<!tpu.dma_semaphore, #tpu.memory_space<semaphore_mem>>) src(%arg18 : memref<32xi32, #tpu.memory_space<vmem>>) dst(%dma_wait3A_38 : memref<32xi32, #tpu.memory_space<hbm>>)
      tpu.yield
    }) : () -> ()
    return
  }
}

</mosaic_0001>

<sc_bundles>
// kernel: kernel.3.cloned.1.call-start
scs
__scs_entry_jumppad:
0x0: {  	(pc) =	sbr.rel $0x88, $3  }
0x1: {  	(tag) =	ssettag $0x0;
	lr =	simm.s32 $0x1  }
0x2: {  	[smem:$0x3F9E] =	sst lr;
	_ =	strace $0xD0000000  }
0x3: {  	_ = 	snop  }
0x4: {  	_ = 	snop  }
0x5: {  	_ = 	snop  }
0x6: {  	_ = 	snop  }
0x7: {  	_ = 	snop  }
__scs_overlays_trampoline_lowered:
0x8: {  	[smem:$0x3FAD] =	sst s0  }
0x9: {  	[smem:$0x3FAE] =	sst s1  }
0xa: {  	[smem:$0x3FAF] =	sst s2  }
0xb: {  	[smem:$0x3FB0] =	sst s3  }
0xc: {  	[smem:$0x3FB1] =	sst s4  }
0xd: {  	[smem:$0x3FB2] =	sst s5  }
0xe: {  	[smem:$0x3FB3] =	sst s6  }
0xf: {  	[smem:$0x3FB4] =	sst s7  }
0x10: {  	[smem:$0x3FB5] =	sst s8  }
0x11: {  	[smem:$0x3FB6] =	sst s9;
	s0 =	simm.s32 @!p0 $0x0  }
0x12: {  	s1 =	sld [smem:$0x3F9C];
	s0 =	simm.s32 @p0 $0x1  }
0x13: {  	[smem:$0x3FB7] =	sst s0;
	s0 =	simm.s32 @!p1 $0x0  }
0x14: {  	s2 =	sld [smem:$0x3F9B];
	s0 =	simm.s32 @p1 $0x1  }
0x15: {  	[smem:$0x3FB8] =	sst s0;
	s0 =	simm.s32 @!p2 $0x0  }
0x16: {  	s3 =	sld [smem:$0x3FDB];
	s0 =	simm.s32 @p2 $0x1  }
0x17: {  	s4 =	simm.s32 $0x1BF5;
	[smem:$0x3FBA] =	sst s0  }
0x18: {  	s0 =	sld [smem:$0x3F9D];
	_ =	swait.ge [sflag:s4], $0x0  }
0x19: {  	s7 =	sld [smem:$0x3F9E]  }
0x1a: {  	s8 =	sadd.s32 $0xFFFFE003, lr  }
0x1b: {  	s9 =	sadd.s32 $0xFFFFFEF7, lr;
	s5 =	simm.s32 $0xFFFFFFFF;
	p2 =	slt.u32 s8, $0xFFFFF086  }
0x1c: {  	p1 =	slt.u32 s9, $0xF7A;
	s5 =	simm.s32 @!p2 $0x0  }
0x1d: {  	s5 =	simm.s32 @p1 $0x1;
	p0 =	seq.s32 s7, s2  }
0x1e: {  	s7 =	smul.u32 @!p0 $0xF7A, s2;
	p2 =	seq.s32 @!p0 s5, $0x0  }
0x1f: {  	s9 =	smul.u32 $0xF7A, s1;
	s8 =	simm.s32 @!p0 $0x1BF5;
	p2 =	por !p2, p0  }
0x20: {  	[sflag:s8] =	ssyncset.s32 @!p0 $0xFFFFF086;
	s6 =	sadd.s32 @!p0 s3, s7;
	s7 =	simm.s32 @!p0 $0x108  }
0x21: {  	s3 =	sadd.s32 s3, s9;
	s6 =	sadd.s32 @!p0 $0x88, s6;
	s7 =	simm.s32 @p2 $0x1082  }
0x22: {  	[simem:s7], [sflag:s8] =	dma.local @!p0 [hbm:s6], $0xF7A  }
0x23: {  	s9 =	sor.u32 $0xD0000000, s2;
	s6 =	simm.s32 $0x108;
	_ =	swait.ge @!p0 [sflag:s8], $0x0  }
0x24: {  	s3 =	sadd.s32 $0x88, s3;
	s6 =	simm.s32 @!p1 $0x1082;
	[sflag:s4] =	ssyncset.s32 $0xFFFFF086  }
0x25: {  	[simem:s6], [sflag:s4] =	dma.local [hbm:s3], $0xF7A  }
0x26: {  	[smem:$0x3F9E] =	sst s1;
	(tag) =	ssettag s2;
	_ =	strace s9  }
0x27: {  	s1 =	sld [smem:$0x3FAE]  }
0x28: {  	s2 =	sld [smem:$0x3FAF]  }
0x29: {  	s4 =	sld [smem:$0x3FB1]  }
0x2a: {  	p0 =	seq.s32 s5, $0x0;
	s5 =	sld [smem:$0x3FB2]  }
0x2b: {  	s6 =	sld [smem:$0x3FB3]  }
0x2c: {  	s7 =	sld [smem:$0x3FB4]  }
0x2d: {  	s3 =	simm.s32 $0x108;
	s8 =	sld [smem:$0x3FB5]  }
0x2e: {  	s3 =	simm.s32 @!p0 $0x1082;
	s9 =	sld [smem:$0x3FB6]  }
0x2f: {  	lr =	sadd.s32 s0, s3;
	s0 =	sld [smem:$0x3FAD]  }
0x30: {  	s3 =	sld [smem:$0x3FB0]  }
0x31: {  	[smem:$0x3FB9] =	sst s10  }
0x32: {  	s10 =	sld [smem:$0x3FB7];
	_ =	sdelay $0x3  }
0x33: {  	p0 =	seq.s32 s10, $0x1;
	s10 =	sld [smem:$0x3FB9];
	_ =	sdelay $0x3  }
0x34: {  	[smem:$0x3FB9] =	sst s10  }
0x35: {  	s10 =	sld [smem:$0x3FB8];
	_ =	sdelay $0x3  }
0x36: {  	p1 =	seq.s32 s10, $0x1;
	s10 =	sld [smem:$0x3FB9];
	_ =	sdelay $0x3  }
0x37: {  	[smem:$0x3FB9] =	sst s10  }
0x38: {  	s10 =	sld [smem:$0x3FBA]  }
0x39: {  	_ = 	snop;
	(pc) =	sbr.ind lr, $3  }
0x3a: {  	_ = 	snop  }
0x3b: {  	_ = 	snop  }
0x3c: {  	p2 =	seq.s32 s10, $0x1;
	s10 =	sld [smem:$0x3FB9]  }
0x3d: {  	_ =	shalt  }
0x3e: {  	_ =	shalt  }
0x3f: {  	_ =	shalt  }
0x40: {  	_ =	shalt  }
0x41: {  	_ =	shalt  }
0x42: {  	_ =	shalt  }
0x43: {  	_ =	shalt  }
0x44: {  	_ =	shalt  }
0x45: {  	_ =	shalt  }
0x46: {  	_ =	shalt  }
0x47: {  	_ =	shalt  }
0x48: {  	_ =	shalt  }
0x49: {  	_ =	shalt  }
0x4a: {  	_ =	shalt  }
0x4b: {  	_ =	shalt  }
0x4c: {  	_ =	shalt  }
0x4d: {  	_ =	shalt  }
0x4e: {  	_ =	shalt  }
0x4f: {  	_ =	shalt  }
0x50: {  	_ =	shalt  }
0x51: {  	_ =	shalt  }
0x52: {  	_ =	shalt  }
0x53: {  	_ =	shalt  }
0x54: {  	_ =	shalt  }
0x55: {  	_ =	shalt  }
0x56: {  	_ =	shalt  }
0x57: {  	_ =	shalt  }
0x58: {  	_ =	shalt  }
0x59: {  	_ =	shalt  }
0x5a: {  	_ =	shalt  }
0x5b: {  	_ =	shalt  }
0x5c: {  	_ =	shalt  }
0x5d: {  	_ =	shalt  }
0x5e: {  	_ =	shalt  }
0x5f: {  	_ =	shalt  }
0x60: {  	_ =	shalt  }
0x61: {  	_ =	shalt  }
0x62: {  	_ =	shalt  }
0x63: {  	_ =	shalt  }
0x64: {  	_ =	shalt  }
0x65: {  	_ =	shalt  }
0x66: {  	_ =	shalt  }
0x67: {  	_ =	shalt  }
0x68: {  	_ =	shalt  }
0x69: {  	_ =	shalt  }
0x6a: {  	_ =	shalt  }
0x6b: {  	_ =	shalt  }
0x6c: {  	_ =	shalt  }
0x6d: {  	_ =	shalt  }
0x6e: {  	_ =	shalt  }
0x6f: {  	_ =	shalt  }
0x70: {  	_ =	shalt  }
0x71: {  	_ =	shalt  }
0x72: {  	_ =	shalt  }
0x73: {  	_ =	shalt  }
0x74: {  	_ =	shalt  }
0x75: {  	_ =	shalt  }
0x76: {  	_ =	shalt  }
0x77: {  	_ =	shalt  }
0x78: {  	_ =	shalt  }
0x79: {  	_ =	shalt  }
0x7a: {  	_ =	shalt  }
0x7b: {  	_ =	shalt  }
0x7c: {  	_ =	shalt  }
0x7d: {  	_ =	shalt  }
0x7e: {  	_ =	shalt  }
0x7f: {  	_ =	shalt  }
0x80: {  	_ =	shalt  }
0x81: {  	_ =	shalt  }
0x82: {  	_ =	shalt  }
0x83: {  	_ =	shalt  }
0x84: {  	_ =	shalt  }
0x85: {  	_ =	shalt  }
0x86: {  	_ =	shalt  }
0x87: {  	_ =	shalt  }
.Lfunc_end0:
.L_simem_size_0:
called_computation.1_lowered:
.L_overlay_start_0:
0x88: {  	s2 =	sld [smem:$0x3FD9]  }
0x89: {  	s3 =	sld [smem:$0x3FFE];
	_ =	sdelay $0x1  }
0x8a: {  	s1 =	srdreg.scid  }
0x8b: {  	s0 =	sand.u32 $0x1, s1  }
0x8c: {  	s14 =	sshll.u32 s0, $0xA;
	s2 =	sadd.s32 s3, s2  }
0x8d: {  	s2 =	sadd.s32 s2, s14  }
0x8e: {  	[smem:$0x3FC5] =	sst s2  }
0x8f: {  	_ = 	snop  }
0x90: {  	s2 =	sld [smem:$0x3FD0];
	_ =	sdelay $0x2  }
0x91: {  	s15 =	simm.s32 $0xA;
	s4 =	simm.s32 $0x10  }
0x92: {  	[smem:s4], [sflag:s15] =	dma.local [hbm:s2], $0x1  }
0x93: {  	_ =	swait.eq [sflag:s15], $0x1  }
0x94: {  	[sflag:s15] =	ssyncset.done $0x0  }
0x95: {  	s16 =	sld [smem:$0x10];
	[sflag:s15] =	ssyncadd.s32 $0xFFFFFFFF  }
0x96: {  	s17 =	sld [smem:$0x11];
	(tm) =	ssettm $0x1  }
0x97: {  	s18 =	sld [smem:$0x3FFB];
	_ =	sdelay $0x3  }
0x98: {  	_ =	strace s18  }
0x99: {  	s4 =	sld [smem:$0x3FFC];
	_ =	sdelay $0x3  }
0x9a: {  	_ =	strace s4  }
0x9b: {  	s4 =	sld [smem:$0x3FFD];
	_ =	sdelay $0x3  }
0x9c: {  	_ =	strace s4  }
0x9d: {  	_ =	strace $0x8FFFFFFF  }
0x9e: {  	s19 =	sld [smem:$0x3FDB];
	_ =	sdelay $0x1  }
0x9f: {  	s5 =	simm.s32 $_scs_section_size  }
0xa0: {  	s6 =	simm.s32 $_size__tile_overlayer_lowered;
	s7 =	simm.s32 $_tile_overlayer_lowered  }
0xa1: {  	s22 =	simm.s32 $0x1BFF;
	s21 =	sshll.u32 s7, $0x1;
	s4 =	sadd.s32 s5, s19  }
0xa2: {  	s8 =	simm.s32 $0x0;
	s20 =	sshll.u32 s6, $0x1;
	s6 =	sadd.s32 s21, s4  }
0xa3: {  	[timem:s8], [sflag:s22] =	dma.local [hbm:s6], s20  }
0xa4: {  	_ =	swait.ge [sflag:s22], s20  }
0xa5: {  	s5 =	ssub.s32 $0x0, s20;
	[sflag:s22] =	ssyncset.done $0x0  }
0xa6: {  	[sflag:s22] =	ssyncadd.s32 s5;
	_ =	sdelay $0x1  }
0xa7: {  	s23 =	simm.s32 $0x1B8B  }
0xa8: {  	_ =	swait.ge [sflag:s23], $0x1  }
0xa9: {  	[sflag:s23] =	ssyncset.done $0x0  }
0xaa: {  	s25 =	simm.s32 $0x1B8E;
	s24 =	sld [smem:$0x3FFE];
	[sflag:s23] =	ssyncadd.s32 $0xFFFFFFFF  }
0xab: {  	s26 =	simm.s32 $execute0_lowered;
	[smem:$0x3FD2] =	sst s25  }
0xac: {  	s6 =	sshll.u32 s26, $0x1;
	_ =	strace $0x80000046;
	[dreg:$0x1] =	wrdreg $0xFFFFFFFF  }
0xad: {  	s28 =	simm.s32 $_size_execute0_lowered;
	s4 =	sadd.s32 s4, s6;
	[dreg:$0x0] =	wrdreg $0x0  }
0xae: {  	s6 =	sshll.u32 s28, $0x1;
	[dreg:$0x2] =	wrdreg s4  }
0xaf: {  	[dreg:$0x3] =	wrdreg s6  }
0xb0: {  	[dreg:$0x4] =	wrdreg $0xC0  }
0xb1: {  	_ =	task [dreg:s8], $0x5FFFF  }
0xb2: {  	[dreg:$0x1] =	wrdreg $0xFFFFFFFF  }
0xb3: {  	[dreg:$0x0] =	wrdreg $0x60  }
0xb4: {  	[dreg:$0x2] =	wrdreg s24  }
0xb5: {  	[dreg:$0x3] =	wrdreg s16  }
0xb6: {  	[dreg:$0x4] =	wrdreg s17  }
0xb7: {  	[dreg:$0x5] =	wrdreg $0x9  }
0xb8: {  	_ =	task.clear_ibuf [dreg:s8], $0x6FFFF;
	_ =	strace $0x90000046  }
0xb9: {  	s29 =	simm.s32 $0x9;
	_ =	strace $0x80000048  }
0xba: {  	_ =	swait.ge [sflag:s29], $0x1  }
0xbb: {  	[sflag:s29] =	ssyncadd.s32 $0xFFFFFFFF  }
0xbc: {  	_ =	strace $0x90000048  }
0xbd: {  	_ =	sfence  }
0xbe: {  	s30 =	sld [smem:$0x0];
	_ =	sdelay $0x2  }
0xbf: {  	s31 =	sshll.u32 s1, $0xD;
	s1 =	sshrl.u32 s1, $0x2  }
0xc0: {  	s3 =	sand.u32 $0x4000, s31;
	s1 =	sadd.s32 s1, s30  }
0xc1: {  	s0 =	sor.u32 s3, s0;
	s1 =	sshll.u32 s1, $0x11  }
0xc2: {  	s0 =	sor.u32 s1, s0  }
0xc3: {  	s0 =	sadd.s32 $0x8F2B, s0  }
0xc4: {  	[sflag:s0] =	ssyncadd.remote.s32 $0x1  }
0xc5: {  	_ =	sfence.sel $0xFFFF  }
0xc6: {  	[dreg:$0x0] =	wrdreg $0xFFFFFFFF;
	(pc) =	sbr.abs _section_cstart, $3  }
0xc7: {  	[dreg:$0x1] =	wrdreg $0xFFFFFFFF  }
0xc8: {  	_ =	task.clear_ibuf [dreg:s8], $0x2FFFF;
	_ =	strace $0x9FFFFFFF  }
0xc9: {  	(tm) =	ssettm $0x7FFFFFFF  }
tec
execute0_lowered:
.L_overlay_start_1:
0x0: {  	(tag) =	ssettag $0x1  }
0x1: {  	s0 =	rddreg [dreg:$0x0]  }
0x2: {  	s1 =	rddreg [dreg:$0x2];
	s8 =	simm.s32 $0x0;
	s4 =	stileid.u32  }
0x3: {  	s3 =	srdreg.scid;
	[smem:$0x7FF] =	sst s8  }
0x4: {  	s2 =	sshll.u32 s4, $0xD;
	s3 =	sand.u32 $0x1, s3;
	s4 =	sshll.u32 s4, $0x1  }
0x5: {  	s7 =	sadd.s32 $0xD400, s0;
	s2 =	sand.u32 $0x1C000, s2;
	_ =	strace $0x80000047  }
0x6: {  	s4 =	sor.u32 s3, s4;
	[smem:$0x7F5] =	sst s7;
	s5 =	sshrl.u32 s2, $0x3  }
0x7: {  	s6 =	sshll.u32 s4, $0x5;
	s30 =	sshll.u32 s4, $0x2;
	s5 =	sadd.s32 s5, s0  }
0x8: {  	[smem:$0x7F6] =	sst s6;
	s6 =	sadd.s32 s6, s0;
	s0 =	sadd.s32 $0x4D600, s0  }
0x9: {  	s1 =	sadd.s32 s1, s30;
	[smem:$0x7F7] =	sst s0  }
0xa: {  	s3 =	ssub.s32 $0x2, s3;
	s26 =	sadd.s32 $0x9400, s5;
	[smem:$0x7FC] =	sst s1  }
0xb: {  	v0 =	vimm.s32 $0x0;
	s24 =	sshrl.u32 s3, $0x1;
	s28 =	sadd.s32 $0x5400, s5;
	[smem:$0x7F8] =	sst s26  }
0xc: {  	vm0 =	vcmask $0x300;
	v3 =	vlaneseq.u32;
	v1 =	vmov s2;
	s2 =	simm.s32 $0x2;
	s29 =	sadd.s32 $0x1400, s5;
	[smem:$0x7F9] =	sst s28  }
0xd: {  	v4 =	vimm.f32 $1.000000000e+00;
	vm8 =	vcmask $0x2320;
	vm9 =	vcmask $0x2724;
	s25 =	ssub.s32 s3, s24;
	s31 =	sadd.s32 $0x1000, s6;
	[smem:$0x7FA] =	sst s29  }
0xe: {  	vm10 =	vcmask $0x2B28;
	vm11 =	vcmask $0x2F2C;
	vm12 =	vcmask $0x3330;
	s4 =	simm.s32 $0x0;
	s0 =	smax.u32 s25, $0x1;
	[smem:$0x7FB] =	sst s31  }
0xf: {  	vm13 =	vcmask $0x3734;
	vm14 =	vcmask $0x3B38;
	v2 =	vsel vm0, $0x3, v0;
	s3 =	simm.s32 $0x8000;
	s1 =	simm.s32 $0x4000;
	[smem:$0x7FD] =	sst s0  }
.LBB2_1:
0x10: {  	s0 =	sld [smem:$0x7F8];
	_ =	sdelay $0x1  }
0x11: {  	[smem:$0x7F4] =	sst s4  }
0x12: {  	[tilespmem:s8], [sflag:$0x2] =	stream.linear.gather [hbm4b:s0+s8], $0x4000, $0x38;
	[tilespmem:$0xEB30] =	vst v63  }
0x13: {  	_ =	swait.ge [sflag:s2], $0x4000  }
0x14: {  	s28 =	sld [smem:$0x7F9]  }
0x15: {  	[sflag:s2] =	ssyncset.done $0x0  }
0x16: {  	[sflag:s2] =	ssyncadd.s32 $0xFFFFC000  }
0x17: {  	[tilespmem:s1], [sflag:$0x2] =	stream.linear.gather [hbm4b:s28+s8], $0x4000, $0x38;
	[tilespmem:$0xEB30] =	vst v63  }
0x18: {  	_ =	swait.ge [sflag:s2], $0x4000  }
0x19: {  	s29 =	sld [smem:$0x7FA]  }
0x1a: {  	[sflag:s2] =	ssyncset.done $0x0  }
0x1b: {  	[sflag:s2] =	ssyncadd.s32 $0xFFFFC000  }
0x1c: {  	[tilespmem:s3], [sflag:$0x2] =	stream.linear.gather [hbm4b:s29+s8], $0x4000, $0x38;
	[tilespmem:$0xEB30] =	vst v63  }
0x1d: {  	_ =	swait.ge [sflag:s2], $0x4000  }
0x1e: {  	s30 =	sld [smem:$0x7FB]  }
0x1f: {  	[sflag:s2] =	ssyncset.done $0x0  }
0x20: {  	s31 =	simm.s32 $0xC000;
	[sflag:s2] =	ssyncadd.s32 $0xFFFFC000  }
0x21: {  	[tilespmem:s31], [sflag:$0x2] =	stream.linear.gather [hbm4b:s30+s8], $0x100, $0x38;
	[tilespmem:$0xEB30] =	vst v63  }
0x22: {  	_ =	swait.ge [sflag:s2], $0x100  }
0x23: {  	[sflag:s2] =	ssyncset.done $0x0  }
0x24: {  	s4 =	simm.s32 $0x0;
	[sflag:s2] =	ssyncadd.s32 $0xFFFFFF00  }
.LBB2_2:
0x25: {  	[smem:$0x7F3] =	sst s4;
	s1 =	simm.s32 $0x40  }
0x26: {  	s2 =	simm.s32 $0x4040;
	v13 =	vld [tilespmem:s1+$0x30]  }
0x27: {  	s18 =	simm.s32 $0x8040;
	v14 =	vld [tilespmem:s2+$0x30]  }
0x28: {  	s0 =	sshll.u32 s4, $0x3;
	v15 =	vld [tilespmem:s18+$0x10]  }
0x29: {  	v5 =	vmov s0;
	v16 =	vld [tilespmem:s1+$0x20]  }
0x2a: {  	v17 =	vld [tilespmem:s2+$0x20];
	v5 =	vshrl.u32 v5, $0x3  }
0x2b: {  	v18 =	vld [tilespmem:s18+$0x0];
	v6 =	vshll.u32 v5, v2  }
0x2c: {  	v19 =	vld [tilespmem:s1+$0x10];
	v5 =	vbroadcast v6, $0x0  }
0x2d: {  	v20 =	vld [tilespmem:s2+$0x10]  }
0x2e: {  	v21 =	vld [tilespmem:s18+$0xFFFFFFF0];
	v7 =	vadd.s32 $0x1, v6  }
0x2f: {  	v22 =	vld [tilespmem:s1+$0x0];
	v8 =	vadd.s32 $0x2, v6;
	v7 =	vbroadcast v7, $0x0  }
0x30: {  	v25 =	vld [tilespmem:s1+$0xFFFFFFF0];
	v10 =	vbroadcast v8, $0x0;
	v8 =	vadd.s32 $0x6, v6  }
0x31: {  	s3 =	simm.s32 $0xC000;
	v29 =	vld [tilespmem:s1+$0xFFFFFFE0];
	v11 =	vbroadcast v8, $0x0;
	v8 =	vadd.s32 $0x7, v6  }
0x32: {  	v12 =	vbroadcast v8, $0x0;
	v8 =	vld.idx.msk [tilespmem:v5+s3+$0x0], $0xffff  }
0x33: {  	v33 =	vld [tilespmem:s1+$0xFFFFFFD0]  }
0x34: {  	v37 =	vld [tilespmem:s1+$0xFFFFFFC0]  }
0x35: {  	v9 =	vld.idx.msk [tilespmem:v7+s3+$0x0], $0xffff  }
0x36: {  	v10 =	vld.idx.msk [tilespmem:v10+s3+$0x0], $0xffff  }
0x37: {  	v23 =	vld [tilespmem:s2+$0x0];
	v13 =	vsub.f32 v13, v8;
	v16 =	vsub.f32 v16, v8  }
0x38: {  	v24 =	vld [tilespmem:s18+$0xFFFFFFE0];
	v27 =	vadd.s32 $0x3, v6;
	v19 =	vsub.f32 v19, v8;
	v22 =	vsub.f32 v22, v8  }
0x39: {  	v30 =	vadd.s32 $0x4, v6;
	v5 =	vld.idx.msk [tilespmem:v11+s3+$0x0], $0xffff;
	v25 =	vsub.f32 v25, v8;
	v29 =	vsub.f32 v29, v8  }
0x3a: {  	v27 =	vbroadcast v27, $0x0;
	v7 =	vld.idx.msk [tilespmem:v12+s3+$0x0], $0xffff;
	v33 =	vsub.f32 v33, v8;
	v37 =	vsub.f32 v37, v8  }
0x3b: {  	v28 =	vld [tilespmem:s18+$0xFFFFFFD0];
	v30 =	vbroadcast v30, $0x0;
	v26 =	vsub.f32 v14, v9;
	v15 =	vsub.f32 v15, v10  }
0x3c: {  	v31 =	vld [tilespmem:s2+$0xFFFFFFE0];
	v6 =	vadd.s32 $0x5, v6;
	v17 =	vsub.f32 v17, v9;
	v18 =	vsub.f32 v18, v10  }
0x3d: {  	v32 =	vld [tilespmem:s18+$0xFFFFFFC0];
	v34 =	vbroadcast v6, $0x0;
	v21 =	vsub.f32 v21, v10;
	v20 =	vsub.f32 v20, v9  }
0x3e: {  	v35 =	vld [tilespmem:s2+$0xFFFFFFD0];
	v23 =	vsub.f32 v23, v9;
	v39 =	vmul.f32 v13, v5;
	v6 =	vmul.f32 v26, v5  }
0x3f: {  	v38 =	vld [tilespmem:s2+$0xFFFFFFC0];
	v24 =	vsub.f32 v24, v10;
	v26 =	vmul.f32 v26, v7;
	v40 =	vmul.f32 v17, v5  }
0x40: {  	v11 =	vld [tilespmem:s18+$0x30];
	v28 =	vsub.f32 v28, v10;
	v41 =	vmul.f32 v16, v7;
	v16 =	vmul.f32 v16, v5  }
0x41: {  	v12 =	vld [tilespmem:s18+$0x20];
	v31 =	vsub.f32 v31, v9;
	v17 =	vmul.f32 v17, v7;
	v42 =	vmul.f32 v20, v5  }
0x42: {  	v32 =	vsub.f32 v32, v10;
	v43 =	vmul.f32 v19, v7;
	v19 =	vmul.f32 v19, v5  }
0x43: {  	v35 =	vsub.f32 v35, v9;
	v20 =	vmul.f32 v20, v7;
	v44 =	vmul.f32 v23, v5  }
0x44: {  	v38 =	vsub.f32 v38, v9;
	v45 =	vmul.f32 v22, v7;
	v22 =	vmul.f32 v22, v5  }
0x45: {  	v14 =	vld [tilespmem:s2+$0xFFFFFFF0];
	v11 =	vsub.f32 v11, v10;
	v23 =	vmul.f32 v23, v7;
	v47 =	vmul.f32 v25, v7  }
0x46: {  	v12 =	vsub.f32 v12, v10;
	v25 =	vmul.f32 v25, v5;
	v63 =	vmul.f32 v31, v5  }
0x47: {  	v15 =	vand.u32 $0x7FFFFFFF, v15;
	v48 =	vmul.f32 v29, v7;
	v29 =	vmul.f32 v29, v5  }
0x48: {  	v18 =	vand.u32 $0x7FFFFFFF, v18;
	v31 =	vmul.f32 v31, v7;
	v49 =	vmul.f32 v35, v5  }
0x49: {  	v21 =	vand.u32 $0x7FFFFFFF, v21;
	v50 =	vmul.f32 v33, v7;
	v33 =	vmul.f32 v33, v5  }
0x4a: {  	v35 =	vmul.f32 v35, v7;
	v36 =	vsub.f32 v14, v9;
	v14 =	vmul.f32 v13, v7;
	v13 =	vld.idx.msk [tilespmem:v34+s3+$0x0], $0xffff  }
0x4b: {  	v24 =	vand.u32 $0x7FFFFFFF, v24;
	v51 =	vmul.f32 v38, v5;
	v52 =	vmul.f32 v37, v7  }
0x4c: {  	v28 =	vand.u32 $0x7FFFFFFF, v28;
	v32 =	vand.u32 $0x7FFFFFFF, v32;
	v37 =	vmul.f32 v37, v5  }
0x4d: {  	v38 =	vmul.f32 v38, v7;
	v16 =	vadd.f32 v17, v16;
	v17 =	vsub.f32 v51, v52  }
0x4e: {  	v11 =	vand.u32 $0x7FFFFFFF, v11;
	v12 =	vand.u32 $0x7FFFFFFF, v12;
	v19 =	vadd.f32 v20, v19  }
0x4f: {  	v17 =	vand.u32 $0x7FFFFFFF, v17;
	vm0 =	vle.f32 v11, v13;
	v11 =	vimm.s32 $0x0  }
0x50: {  	vm4 =	vle.f32 v12, v13;
	v12 =	vimm.s32 $0x0;
	v11 =	vsel vm0, $0xFFFFFFFF, v11  }
0x51: {  	v46 =	vmul.f32 v36, v5;
	v36 =	vmul.f32 v36, v7;
	v12 =	vsel vm4, $0xFFFFFFFF, v12;
	[tilespmem:$0x1FFF0] =	vst v11;
	v11 =	vld.idx.msk [tilespmem:v27+s3+$0x0], $0xffff  }
0x52: {  	v19 =	vand.u32 $0x7FFFFFFF, v19;
	v16 =	vand.u32 $0x7FFFFFFF, v16;
	v6 =	vsub.f32 v6, v14;
	[tilespmem:$0x1FFE0] =	vst v12;
	v12 =	vld.idx.msk [tilespmem:v30+s3+$0x0], $0xffff  }
0x53: {  	v20 =	vadd.f32 v36, v25;
	vm3 =	vle.f32 v18, v13;
	v18 =	vadd.f32 v38, v37  }
0x54: {  	vm2 =	vle.f32 v15, v13;
	vm5 =	vle.f32 v24, v13;
	vm15 =	vle.f32 v28, v13  }
0x55: {  	vm1 =	vle.f32 v32, v13;
	vm4 =	vle.f32 v21, v13;
	v18 =	vand.u32 $0x7FFFFFFF, v18  }
0x56: {  	v21 =	vadd.f32 v23, v22;
	vm0 =	vle.f32 v18, v11;
	v18 =	vadd.f32 v35, v33  }
0x57: {  	vm0 =	vmand vm1, vm0;
	vm1 =	vle.f32 v17, v12;
	v17 =	vsub.f32 v49, v50  }
0x58: {  	v22 =	vadd.f32 v31, v29;
	vm6 =	vmand vm1, vm0;
	v18 =	vand.u32 $0x7FFFFFFF, v18  }
0x59: {  	v23 =	vmpcnt.ones.xlane vm6;
	vm0 =	vle.f32 v18, v11;
	v17 =	vand.u32 $0x7FFFFFFF, v17  }
0x5a: {  	vm0 =	vmand vm15, vm0;
	vm1 =	vle.f32 v17, v12;
	v17 =	vsub.f32 v63, v48  }
0x5b: {  	v18 =	vand.u32 $0x7FFFFFFF, v22;
	vm7 =	vmand vm1, vm0;
	(v2sf) =	vpush v23, $0x0  }
0x5c: {  	vm0 =	vle.f32 v18, v11;
	v22 =	vmpcnt.ones.xlane vm7;
	v17 =	vand.u32 $0x7FFFFFFF, v17  }
0x5d: {  	vm0 =	vmand vm5, vm0;
	vm5 =	vle.f32 v17, v12;
	v17 =	vsub.f32 v46, v47  }
0x5e: {  	v18 =	vand.u32 $0x7FFFFFFF, v20;
	vm5 =	vmand vm5, vm0;
	(v2sf) =	vpush v22, $0x0  }
0x5f: {  	s4 =	simm.s32 $0x40C0;
	vm0 =	vle.f32 v18, v11;
	v20 =	vmpcnt.ones.xlane vm5;
	v17 =	vand.u32 $0x7FFFFFFF, v17  }
0x60: {  	v25 =	vld [tilespmem:s4+$0x20];
	vm0 =	vmand vm4, vm0;
	vm4 =	vle.f32 v17, v12;
	v17 =	vsub.f32 v44, v45  }
0x61: {  	v21 =	vand.u32 $0x7FFFFFFF, v21;
	v27 =	vld [tilespmem:$0x1FFE0];
	vm4 =	vmand vm4, vm0;
	(v2sf) =	vpush v20, $0x0  }
0x62: {  	v14 =	vld [tilespmem:s4+$0x10];
	vm0 =	vle.f32 v21, v11;
	v22 =	vmpcnt.ones.xlane vm4;
	v17 =	vand.u32 $0x7FFFFFFF, v17  }
0x63: {  	s0 =	simm.s32 $0x80C0;
	v31 =	vld [tilespmem:s4+$0xFFFFFFF0];
	vm0 =	vmand vm3, vm0;
	vm1 =	vle.f32 v17, v12;
	v17 =	vsub.f32 v42, v43  }
0x64: {  	s3 =	simm.s32 $0xC0;
	v28 =	vld [tilespmem:s0+$0xFFFFFFD0];
	vm15 =	vmand vm1, vm0;
	(v2sf) =	vpush v22, $0x0;
	vm0 =	vle.f32 v19, v11  }
0x65: {  	v55 =	vld [tilespmem:s3+$0xFFFFFFE0];
	v24 =	vmpcnt.ones.xlane vm15;
	v17 =	vand.u32 $0x7FFFFFFF, v17;
	vm0 =	vmand vm2, vm0  }
0x66: {  	vm2 =	vnez.u8 v27;
	v27 =	vld [tilespmem:$0x1FFF0];
	vm1 =	vle.f32 v17, v12;
	v17 =	vsub.f32 v40, v41  }
0x67: {  	v15 =	vadd.f32 v26, v39;
	v58 =	vld [tilespmem:s3+$0xFFFFFFD0];
	vm0 =	vmand vm1, vm0;
	(v2sf) =	vpush v24, $0x0  }
0x68: {  	v62 =	vld [tilespmem:s3+$0xFFFFFFC0];
	vm1 =	vle.f32 v16, v11;
	v26 =	vmpcnt.ones.xlane vm0;
	v16 =	vand.u32 $0x7FFFFFFF, v17  }
0x69: {  	v6 =	vand.u32 $0x7FFFFFFF, v6;
	v23 =	vld [tilespmem:s4+$0x30];
	vm1 =	vmand vm2, vm1;
	vm2 =	vle.f32 v16, v12  }
0x6a: {  	v15 =	vand.u32 $0x7FFFFFFF, v15;
	v20 =	vld [tilespmem:s0+$0x20];
	vm1 =	vmand vm2, vm1;
	s19 =	spop (v2sf);
	(v2sf) =	vpush v26, $0x0  }
0x6b: {  	v18 =	vld [tilespmem:s0+$0x30];
	vm2 =	vle.f32 v15, v11;
	vm3 =	vnez.u8 v27;
	s2 =	sadd.s32 $0x0, s19;
	v26 =	vmpcnt.ones.xlane vm1  }
0x6c: {  	s24 =	simm.s32 $0x50;
	v21 =	vld [tilespmem:s3+$0x30];
	vm2 =	vmand vm3, vm2;
	vm3 =	vle.f32 v6, v12;
	p0 =	slt.s32 s2, $0x200  }
0x6d: {  	s26 =	simm.s32 $0x70;
	v57 =	vor.u32 s24, v3;
	v22 =	vld [tilespmem:s0+$0x10];
	vm2 =	vmand vm3, vm2;
	s2 =	simm.s32 @!p0 $0x200;
	s20 =	spop (v2sf);
	(v2sf) =	vpush v26, $0x0  }
0x6e: {  	s8 =	simm.s32 $0x30;
	v61 =	vor.u32 s26, v3;
	v25 =	vsub.f32 v25, v9;
	v19 =	vld [tilespmem:s3+$0x20];
	v6 =	vmpcnt.ones.xlane vm2;
	s6 =	sadd.s32 s2, s20  }
0x6f: {  	s5 =	simm.s32 $0x0;
	v36 =	vor.u32 s8, v3;
	v37 =	vsub.f32 v14, v9;
	v42 =	vsub.f32 v20, v10;
	v20 =	vld [tilespmem:s3+$0xFFFFFFF0];
	p0 =	slt.s32 s6, $0x200  }
0x70: {  	s7 =	simm.s32 $0x10;
	v30 =	vor.u32 s5, v3;
	v28 =	vsub.f32 v28, v10;
	v24 =	vld [tilespmem:s0+$0x0];
	s6 =	simm.s32 @!p0 $0x200;
	s22 =	spop (v2sf);
	(v2sf) =	vpush v6, $0x0  }
0x71: {  	s21 =	simm.s32 $0x20;
	v60 =	vsub.f32 v31, v9;
	v43 =	vsub.f32 v18, v10;
	v18 =	vor.u32 s7, v3;
	v17 =	vld [tilespmem:s3+$0x10];
	s7 =	sadd.s32 s6, s22  }
0x72: {  	s23 =	simm.s32 $0x40;
	v33 =	vor.u32 s21, v3;
	v35 =	vsub.f32 v55, v8;
	v29 =	vsub.f32 v23, v9;
	v16 =	vld [tilespmem:s0+$0xFFFFFFF0];
	p0 =	slt.s32 s7, $0x200  }
0x73: {  	v39 =	vsub.f32 v58, v8;
	v31 =	vmul.f32 v25, v7;
	v44 =	vor.u32 s23, v3;
	v15 =	vld [tilespmem:s3+$0x0];
	s7 =	simm.s32 @!p0 $0x200;
	s9 =	spop (v2sf)  }
0x74: {  	v14 =	vmul.f32 v29, v5;
	v21 =	vsub.f32 v21, v8;
	v19 =	vsub.f32 v19, v8;
	v27 =	vld [tilespmem:s4+$0x0];
	s9 =	sadd.s32 s7, s9  }
0x75: {  	v29 =	vmul.f32 v29, v7;
	v47 =	vsub.f32 v22, v10;
	v59 =	vsub.f32 v20, v8;
	v20 =	vld [tilespmem:s4+$0xFFFFFFD0];
	p0 =	slt.s32 s9, $0x200  }
0x76: {  	[tilespmem:s5+$0xC100] =	vst.msk vm6, v30;
	v40 =	vsub.f32 v62, v8;
	v46 =	vand.u32 $0x7FFFFFFF, v42;
	v30 =	vmul.f32 v19, v5;
	v26 =	vld [tilespmem:s0+$0xFFFFFFE0];
	s9 =	simm.s32 @!p0 $0x200;
	s28 =	spop (v2sf)  }
0x77: {  	v47 =	vand.u32 $0x7FFFFFFF, v47;
	v22 =	vsub.f32 v24, v10;
	v34 =	vsub.f32 v17, v8;
	v17 =	vld [tilespmem:s4+$0xFFFFFFE0];
	s8 =	sadd.s32 s9, s28  }
0x78: {  	v42 =	vmul.f32 v59, v5;
	v23 =	vsub.f32 v16, v10;
	[tilespmem:s2+$0xC100] =	vst.msk vm7, v18;
	v18 =	vmul.f32 v37, v5;
	p0 =	slt.s32 s8, $0x200  }
0x79: {  	s1 =	simm.s32 $0x80;
	v16 =	vld [tilespmem:s0+$0xFFFFFFC0];
	v45 =	vsub.f32 v15, v8;
	v56 =	vsub.f32 v27, v9;
	v15 =	vmul.f32 v21, v7;
	s8 =	simm.s32 @!p0 $0x200;
	s29 =	spop (v2sf)  }
0x7a: {  	v27 =	vmul.f32 v21, v5;
	v6 =	vor.u32 s1, v3;
	[tilespmem:s6+$0xC100] =	vst.msk vm5, v33;
	v33 =	vmul.f32 v34, v5;
	s2 =	sadd.s32 s8, s29  }
0x7b: {  	v63 =	vld [tilespmem:s4+$0xFFFFFFC0];
	v41 =	vsub.f32 v20, v9;
	v20 =	vmul.f32 v56, v5;
	v21 =	vmul.f32 v45, v7;
	p0 =	slt.s32 s2, $0x200  }
0x7c: {  	s25 =	simm.s32 $0x60;
	v24 =	vsub.f32 v26, v10;
	v38 =	vsub.f32 v17, v9;
	v17 =	vmul.f32 v19, v7;
	[tilespmem:s7+$0xC100] =	vst.msk vm4, v36;
	s2 =	simm.s32 @!p0 $0x200;
	s30 =	spop (v2sf)  }
0x7d: {  	v26 =	vor.u32 s25, v3;
	v19 =	vmul.f32 v34, v7;
	v34 =	vmul.f32 v37, v7;
	[tilespmem:s9+$0xC100] =	vst.msk vm15, v44;
	s6 =	sadd.s32 s2, s30  }
0x7e: {  	v37 =	vmul.f32 v56, v7;
	v32 =	vsub.f32 v16, v10;
	v16 =	vmul.f32 v25, v5;
	[tilespmem:s8+$0xC100] =	vst.msk vm0, v57;
	p0 =	slt.s32 s6, $0x200  }
0x7f: {  	v25 =	vmul.f32 v60, v5;
	v36 =	vmul.f32 v45, v5;
	v45 =	vand.u32 $0x7FFFFFFF, v43;
	[tilespmem:s2+$0xC100] =	vst.msk vm1, v26;
	s6 =	simm.s32 @!p0 $0x200;
	s31 =	spop (v2sf)  }
0x80: {  	s5 =	simm.s32 $0x100;
	v43 =	vmul.f32 v60, v7;
	v44 =	vsub.f32 v63, v9;
	v26 =	vmul.f32 v59, v7;
	[tilespmem:s6+$0xC100] =	vst.msk vm2, v61;
	s2 =	sadd.s32 s6, s31  }
.LBB2_3:
0x81: {  	p0 =	slt.u32 s5, $0x3F80;
	v48 =	vmul.f32 v38, v5;
	v49 =	vmul.f32 v35, v7;
	v22 =	vand.u32 $0x7FFFFFFF, v22;
	p1 =	slt.s32 s2, $0x200  }
0x82: {  	v35 =	vmul.f32 v35, v5;
	v38 =	vmul.f32 v38, v7;
	v23 =	vand.u32 $0x7FFFFFFF, v23;
	s2 =	simm.s32 @!p1 $0x200  }
0x83: {  	v50 =	vmul.f32 v41, v5;
	v51 =	vmul.f32 v39, v7;
	v24 =	vand.u32 $0x7FFFFFFF, v24  }
0x84: {  	v39 =	vmul.f32 v39, v5;
	v41 =	vmul.f32 v41, v7;
	v28 =	vand.u32 $0x7FFFFFFF, v28  }
0x85: {  	v52 =	vmul.f32 v44, v5;
	v53 =	vmul.f32 v40, v7;
	v32 =	vand.u32 $0x7FFFFFFF, v32  }
0x86: {  	v40 =	vmul.f32 v40, v5;
	v44 =	vmul.f32 v44, v7;
	vm15 =	vle.f32 v45, v13  }
0x87: {  	vm1 =	vle.f32 v47, v13;
	vm0 =	vle.f32 v46, v13;
	vm2 =	vle.f32 v22, v13  }
0x88: {  	vm4 =	vle.f32 v24, v13;
	vm3 =	vle.f32 v23, v13;
	v22 =	vadd.f32 v29, v27  }
0x89: {  	vm5 =	vle.f32 v28, v13;
	v24 =	vadd.f32 v31, v30;
	v23 =	vadd.f32 v44, v40  }
0x8a: {  	vm6 =	vle.f32 v32, v13;
	v28 =	vadd.f32 v34, v33;
	v27 =	vsub.f32 v52, v53  }
0x8b: {  	v29 =	vadd.f32 v43, v42;
	v30 =	vadd.f32 v37, v36;
	v23 =	vand.u32 $0x7FFFFFFF, v23  }
0x8c: {  	vm7 =	vle.f32 v23, v11;
	v23 =	vand.u32 $0x7FFFFFFF, v27;
	v27 =	vadd.f32 v41, v39  }
0x8d: {  	vm6 =	vmand vm6, vm7;
	vm7 =	vle.f32 v23, v12;
	v23 =	vsub.f32 v50, v51  }
0x8e: {  	v31 =	vadd.f32 v38, v35;
	vm6 =	vmand vm7, vm6;
	v27 =	vand.u32 $0x7FFFFFFF, v27  }
0x8f: {  	v23 =	vand.u32 $0x7FFFFFFF, v23;
	[tilespmem:s2+$0xC100] =	vst.msk vm6, v6;
	v6 =	vmpcnt.ones.xlane vm6;
	vm6 =	vle.f32 v27, v11  }
0x90: {  	vm5 =	vmand vm5, vm6;
	vm6 =	vle.f32 v23, v12;
	v23 =	vsub.f32 v48, v49  }
0x91: {  	v27 =	vand.u32 $0x7FFFFFFF, v31;
	vm5 =	vmand vm6, vm5;
	(v2sf) =	vpush v6, $0x0  }
0x92: {  	vm6 =	vle.f32 v27, v11;
	v6 =	vmpcnt.ones.xlane vm5;
	v23 =	vand.u32 $0x7FFFFFFF, v23  }
0x93: {  	vm4 =	vmand vm4, vm6;
	vm6 =	vle.f32 v23, v12;
	v23 =	vsub.f32 v25, v26  }
0x94: {  	v25 =	vand.u32 $0x7FFFFFFF, v29;
	vm4 =	vmand vm6, vm4;
	(v2sf) =	vpush v6, $0x0  }
0x95: {  	vm6 =	vle.f32 v25, v11;
	v6 =	vmpcnt.ones.xlane vm4;
	v23 =	vand.u32 $0x7FFFFFFF, v23  }
0x96: {  	v20 =	vsub.f32 v20, v21;
	s0 =	sadd.s32 $0x80, s0;
	vm3 =	vmand vm3, vm6;
	vm6 =	vle.f32 v23, v12  }
0x97: {  	v23 =	vand.u32 $0x7FFFFFFF, v30;
	v21 =	vld [tilespmem:s0+$0x30];
	vm3 =	vmand vm6, vm3;
	(v2sf) =	vpush v6, $0x0  }
0x98: {  	s3 =	sadd.s32 $0x80, s3;
	v20 =	vand.u32 $0x7FFFFFFF, v20;
	vm6 =	vle.f32 v23, v11;
	v6 =	vld [tilespmem:s0+$0x20];
	v25 =	vmpcnt.ones.xlane vm3  }
0x99: {  	v18 =	vsub.f32 v18, v19;
	s4 =	sadd.s32 $0x80, s4;
	vm2 =	vmand vm2, vm6;
	vm6 =	vle.f32 v20, v12;
	v23 =	vld [tilespmem:s3+$0x30]  }
0x9a: {  	v20 =	vand.u32 $0x7FFFFFFF, v28;
	vm2 =	vmand vm6, vm2;
	v19 =	vld [tilespmem:s4+$0x30];
	(v2sf) =	vpush v25, $0x0  }
0x9b: {  	v18 =	vand.u32 $0x7FFFFFFF, v18;
	vm6 =	vle.f32 v20, v11;
	v26 =	vmpcnt.ones.xlane vm2;
	v25 =	vld [tilespmem:s0+$0x10]  }
0x9c: {  	v16 =	vsub.f32 v16, v17;
	vm1 =	vmand vm1, vm6;
	vm6 =	vle.f32 v18, v12;
	v20 =	vld [tilespmem:s3+$0x20]  }
0x9d: {  	v18 =	vand.u32 $0x7FFFFFFF, v24;
	vm1 =	vmand vm6, vm1;
	v17 =	vld [tilespmem:s4+$0x20];
	(v2sf) =	vpush v26, $0x0  }
0x9e: {  	v16 =	vand.u32 $0x7FFFFFFF, v16;
	vm6 =	vle.f32 v18, v11;
	v26 =	vmpcnt.ones.xlane vm1;
	v24 =	vld [tilespmem:s0+$0x0]  }
0x9f: {  	v14 =	vsub.f32 v14, v15;
	vm0 =	vmand vm0, vm6;
	vm6 =	vle.f32 v16, v12;
	v18 =	vld [tilespmem:s3+$0x10]  }
0xa0: {  	v16 =	vand.u32 $0x7FFFFFFF, v22;
	vm0 =	vmand vm6, vm0;
	v15 =	vld [tilespmem:s4+$0x10];
	s6 =	spop (v2sf);
	(v2sf) =	vpush v26, $0x0  }
0xa1: {  	v14 =	vand.u32 $0x7FFFFFFF, v14;
	vm6 =	vle.f32 v16, v11;
	v22 =	vmpcnt.ones.xlane vm0;
	v26 =	vld [tilespmem:s0+$0xFFFFFFF0];
	s2 =	sadd.s32 s2, s6  }
0xa2: {  	vm7 =	vle.f32 v14, v12;
	vm6 =	vmand vm15, vm6;
	s6 =	sadd.s32 $0x10, s1;
	v16 =	vld [tilespmem:s3+$0x0];
	p1 =	slt.s32 s2, $0x200  }
0xa3: {  	vm15 =	vmand vm7, vm6;
	v27 =	vor.u32 s6, v3;
	v14 =	vld [tilespmem:s4+$0x0];
	s2 =	simm.s32 @!p1 $0x200;
	s6 =	spop (v2sf);
	(v2sf) =	vpush v22, $0x0  }
0xa4: {  	v43 =	vsub.f32 v21, v10;
	v42 =	vsub.f32 v6, v10;
	v6 =	vmpcnt.ones.xlane vm15;
	v28 =	vld [tilespmem:s0+$0xFFFFFFE0];
	[tilespmem:s2+$0xC100] =	vst.msk vm5, v27;
	s2 =	sadd.s32 s2, s6  }
0xa5: {  	v19 =	vsub.f32 v19, v9;
	v27 =	vsub.f32 v23, v8;
	s6 =	sadd.s32 $0x20, s1;
	v21 =	vld [tilespmem:s3+$0xFFFFFFF0];
	p1 =	slt.s32 s2, $0x200  }
0xa6: {  	v47 =	vsub.f32 v25, v10;
	v22 =	vor.u32 s6, v3;
	v29 =	vld [tilespmem:s4+$0xFFFFFFF0];
	s2 =	simm.s32 @!p1 $0x200;
	s6 =	spop (v2sf);
	(v2sf) =	vpush v6, $0x0  }
0xa7: {  	v20 =	vsub.f32 v20, v8;
	v31 =	vsub.f32 v17, v9;
	v6 =	vor.u32 s5, v3;
	v25 =	vld [tilespmem:s0+$0xFFFFFFD0];
	[tilespmem:s2+$0xC100] =	vst.msk vm4, v22;
	s2 =	sadd.s32 s2, s6;
	s6 =	sadd.s32 $0x30, s1  }
0xa8: {  	v33 =	vsub.f32 v18, v8;
	v22 =	vsub.f32 v24, v10;
	v17 =	vld [tilespmem:s3+$0xFFFFFFE0];
	p1 =	slt.s32 s2, $0x200;
	v18 =	vor.u32 s6, v3;
	s6 =	sadd.s32 $0x40, s1  }
0xa9: {  	v23 =	vsub.f32 v26, v10;
	v26 =	vsub.f32 v15, v9;
	v30 =	vld [tilespmem:s4+$0xFFFFFFE0];
	s2 =	simm.s32 @!p1 $0x200;
	v32 =	vor.u32 s6, v3;
	s6 =	sadd.s32 $0x50, s1;
	s7 =	spop (v2sf)  }
0xaa: {  	v36 =	vsub.f32 v16, v8;
	v37 =	vsub.f32 v14, v9;
	v34 =	vld [tilespmem:s0+$0xFFFFFFC0];
	[tilespmem:s2+$0xC100] =	vst.msk vm3, v18;
	s2 =	sadd.s32 s2, s7;
	v18 =	vor.u32 s6, v3;
	s6 =	sadd.s32 $0x60, s1  }
0xab: {  	v24 =	vsub.f32 v28, v10;
	v48 =	vsub.f32 v21, v8;
	v39 =	vld [tilespmem:s3+$0xFFFFFFD0];
	p1 =	slt.s32 s2, $0x200;
	v45 =	vor.u32 s6, v3;
	s6 =	sadd.s32 $0x70, s1;
	s1 =	smov.u32 s5  }
0xac: {  	v49 =	vsub.f32 v29, v9;
	v21 =	vld [tilespmem:s4+$0xFFFFFFD0];
	v28 =	vsub.f32 v25, v10;
	s2 =	simm.s32 @!p1 $0x200;
	v50 =	vor.u32 s6, v3;
	s6 =	spop (v2sf)  }
0xad: {  	v15 =	vmul.f32 v27, v7;
	v14 =	vmul.f32 v19, v5;
	v25 =	vld [tilespmem:s3+$0xFFFFFFC0];
	v35 =	vsub.f32 v17, v8;
	[tilespmem:s2+$0xC100] =	vst.msk vm2, v32;
	s2 =	sadd.s32 s2, s6  }
0xae: {  	v27 =	vmul.f32 v27, v5;
	v29 =	vmul.f32 v19, v7;
	v44 =	vld [tilespmem:s4+$0xFFFFFFC0];
	v38 =	vsub.f32 v30, v9;
	p1 =	slt.s32 s2, $0x200  }
0xaf: {  	v16 =	vmul.f32 v31, v5;
	v17 =	vmul.f32 v20, v7;
	v32 =	vsub.f32 v34, v10;
	s2 =	simm.s32 @!p1 $0x200;
	s6 =	spop (v2sf)  }
0xb0: {  	v31 =	vmul.f32 v31, v7;
	v30 =	vmul.f32 v20, v5;
	v39 =	vsub.f32 v39, v8;
	[tilespmem:s2+$0xC100] =	vst.msk vm1, v18;
	s2 =	sadd.s32 s2, s6  }
0xb1: {  	v19 =	vmul.f32 v33, v7;
	v18 =	vmul.f32 v26, v5;
	v41 =	vsub.f32 v21, v9;
	p1 =	slt.s32 s2, $0x200  }
.Ltmp0:
0xb2: {  	v33 =	vmul.f32 v33, v5;
	v34 =	vmul.f32 v26, v7;
	v40 =	vsub.f32 v25, v8;
	s2 =	simm.s32 @!p1 $0x200;
	s6 =	spop (v2sf);
	(pc) =	sbr.rel @p0 .LBB2_3-.Ltmp0, $4  }
0xb3: {  	v20 =	vmul.f32 v37, v5;
	v21 =	vmul.f32 v36, v7;
	v44 =	vsub.f32 v44, v9;
	[tilespmem:s2+$0xC100] =	vst.msk vm0, v45;
	s2 =	sadd.s32 s2, s6  }
0xb4: {  	v37 =	vmul.f32 v37, v7;
	v36 =	vmul.f32 v36, v5;
	v45 =	vand.u32 $0x7FFFFFFF, v43;
	p1 =	slt.s32 s2, $0x200  }
0xb5: {  	v46 =	vand.u32 $0x7FFFFFFF, v42;
	v26 =	vmul.f32 v48, v7;
	v25 =	vmul.f32 v49, v5;
	s2 =	simm.s32 @!p1 $0x200;
	s6 =	spop (v2sf)  }
0xb6: {  	v47 =	vand.u32 $0x7FFFFFFF, v47;
	s5 =	sadd.s32 $0x80, s5;
	v42 =	vmul.f32 v48, v5;
	v43 =	vmul.f32 v49, v7;
	[tilespmem:s2+$0xC100] =	vst.msk vm15, v50;
	s2 =	sadd.s32 s2, s6  }
0xb7: {  	v8 =	vmul.f32 v38, v5;
	v9 =	vmul.f32 v35, v7  }
0xb8: {  	v62 =	vmul.f32 v35, v5;
	v63 =	vmul.f32 v38, v7  }
0xb9: {  	v52 =	vmul.f32 v41, v5;
	v48 =	vmul.f32 v39, v7  }
0xba: {  	v53 =	vmul.f32 v39, v5;
	v54 =	vmul.f32 v41, v7  }
0xbb: {  	v49 =	vmul.f32 v44, v5;
	v50 =	vmul.f32 v40, v7  }
0xbc: {  	v5 =	vmul.f32 v40, v5;
	v7 =	vmul.f32 v44, v7  }
0xbd: {  	v10 =	vand.u32 $0x7FFFFFFF, v22  }
0xbe: {  	v23 =	vand.u32 $0x7FFFFFFF, v23;
	v24 =	vand.u32 $0x7FFFFFFF, v24;
	v5 =	vadd.f32 v7, v5  }
0xbf: {  	v28 =	vand.u32 $0x7FFFFFFF, v28;
	v32 =	vand.u32 $0x7FFFFFFF, v32;
	v56 =	vsub.f32 v49, v50  }
0xc0: {  	v61 =	vimm.s32 $0x0;
	vm7 =	vle.f32 v32, v13;
	v5 =	vand.u32 $0x7FFFFFFF, v5  }
0xc1: {  	v59 =	vadd.f32 v54, v53;
	vm15 =	vle.f32 v5, v11;
	v5 =	vand.u32 $0x7FFFFFFF, v56  }
0xc2: {  	vm7 =	vmand vm7, vm15;
	vm15 =	vle.f32 v5, v12;
	v5 =	vsub.f32 v52, v48  }
0xc3: {  	vm4 =	vle.f32 v23, v13;
	vm6 =	vle.f32 v28, v13;
	v23 =	vand.u32 $0x7FFFFFFF, v59  }
0xc4: {  	vm15 =	vmand vm15, vm7;
	vm7 =	vle.f32 v23, v11;
	v5 =	vand.u32 $0x7FFFFFFF, v5  }
0xc5: {  	v22 =	vadd.f32 v63, v62;
	vm6 =	vmand vm6, vm7;
	vm7 =	vle.f32 v5, v12  }
0xc6: {  	vm5 =	vle.f32 v24, v13;
	v5 =	vsub.f32 v8, v9;
	vm6 =	vmand vm7, vm6  }
0xc7: {  	v62 =	vand.u32 $0x7FFFFFFF, v22;
	v8 =	vmpcnt.ones.xlane vm15;
	v9 =	vsel vm6, $0xFFFFFFFF, v61  }
0xc8: {  	v63 =	vmpcnt.ones.xlane vm6;
	vm6 =	vle.f32 v62, v11;
	v5 =	vand.u32 $0x7FFFFFFF, v5  }
0xc9: {  	v58 =	vadd.f32 v43, v42;
	vm5 =	vmand vm5, vm6;
	vm6 =	vle.f32 v5, v12  }
0xca: {  	(v2sf) =	vpush v8, $0x0;
	v8 =	vimm.s32 $0x0;
	vm6 =	vmand vm6, vm5  }
0xcb: {  	v55 =	vadd.f32 v29, v27;
	v5 =	vsub.f32 v25, v26;
	v8 =	vsel vm6, $0xFFFFFFFF, v8  }
0xcc: {  	v57 =	vadd.f32 v34, v33;
	v60 =	vadd.f32 v37, v36;
	[tilespmem:$0x1FF80] =	vst v8;
	v8 =	vand.u32 $0x7FFFFFFF, v58  }
0xcd: {  	vm3 =	vle.f32 v10, v13;
	v5 =	vand.u32 $0x7FFFFFFF, v5;
	vm5 =	vle.f32 v8, v11  }
0xce: {  	v28 =	vimm.s32 $0x0;
	vm4 =	vmand vm4, vm5;
	vm5 =	vle.f32 v5, v12  }
0xcf: {  	v7 =	vadd.f32 v31, v30;
	v5 =	vsub.f32 v20, v21;
	vm4 =	vmand vm5, vm4  }
0xd0: {  	v29 =	vand.u32 $0x7FFFFFFF, v60;
	[tilespmem:$0x1FF70] =	vst v9;
	v8 =	vmpcnt.ones.xlane vm6;
	v9 =	vsel vm4, $0xFFFFFFFF, v28  }
0xd1: {  	v30 =	vmpcnt.ones.xlane vm4;
	vm4 =	vle.f32 v29, v11;
	v5 =	vand.u32 $0x7FFFFFFF, v5  }
0xd2: {  	(v2sf) =	vpush v63, $0x0;
	vm3 =	vmand vm3, vm4;
	vm4 =	vle.f32 v5, v12  }
0xd3: {  	(v2sf) =	vpush v8, $0x0;
	v8 =	vimm.s32 $0x0;
	vm4 =	vmand vm4, vm3  }
0xd4: {  	v5 =	vsub.f32 v18, v19;
	v8 =	vsel vm4, $0xFFFFFFFF, v8  }
0xd5: {  	vm0 =	vle.f32 v45, v13;
	vm2 =	vle.f32 v47, v13;
	[tilespmem:$0x1FFA0] =	vst v8;
	v8 =	vand.u32 $0x7FFFFFFF, v57  }
0xd6: {  	vm1 =	vle.f32 v46, v13;
	v5 =	vand.u32 $0x7FFFFFFF, v5;
	vm3 =	vle.f32 v8, v11  }
0xd7: {  	vm2 =	vmand vm2, vm3;
	vm3 =	vle.f32 v5, v12;
	v5 =	vsub.f32 v16, v17  }
0xd8: {  	v7 =	vand.u32 $0x7FFFFFFF, v7;
	(v2sf) =	vpush v30, $0x0;
	v8 =	vmpcnt.ones.xlane vm4  }
0xd9: {  	vm3 =	vmand vm3, vm2;
	vm2 =	vle.f32 v7, v11;
	v5 =	vand.u32 $0x7FFFFFFF, v5  }
0xda: {  	v7 =	vsub.f32 v14, v15;
	vm1 =	vmand vm1, vm2;
	vm2 =	vle.f32 v5, v12  }
0xdb: {  	(v2sf) =	vpush v8, $0x0;
	v5 =	vand.u32 $0x7FFFFFFF, v55;
	vm2 =	vmand vm2, vm1  }
0xdc: {  	vm1 =	vle.f32 v5, v11;
	v5 =	vand.u32 $0x7FFFFFFF, v7;
	v7 =	vmpcnt.ones.xlane vm3  }
0xdd: {  	p0 =	slt.s32 s2, $0x200;
	vm0 =	vmand vm0, vm1;
	vm1 =	vle.f32 v5, v12  }
0xde: {  	s2 =	simm.s32 @!p0 $0x200;
	s5 =	spop (v2sf);
	v5 =	vmpcnt.ones.xlane vm2;
	vm0 =	vmand vm1, vm0;
	(v2sf) =	vpush v7, $0x0  }
0xdf: {  	s5 =	sadd.s32 s2, s5;
	v7 =	vmpcnt.ones.xlane vm0  }
0xe0: {  	s0 =	simm.s32 $0x0;
	p0 =	slt.s32 s5, $0x200;
	(v2sf) =	vpush v5, $0x0  }
0xe1: {  	s6 =	spop (v2sf);
	s5 =	simm.s32 @!p0 $0x200;
	v5 =	vor.u32 s0, v3;
	(v2sf) =	vpush v7, $0x0  }
0xe2: {  	s6 =	sadd.s32 s5, s6;
	(v2sf) =	vpush v5, $0xE  }
0xe3: {  	p0 =	slt.s32 s6, $0x200;
	(v2sf) =	vpush v5, $0xD  }
0xe4: {  	s6 =	simm.s32 @!p0 $0x200;
	s7 =	spop (v2sf);
	(v2sf) =	vpush v5, $0xC  }
0xe5: {  	[smem:$0x7DE] =	sst s6;
	s6 =	sadd.s32 s6, s7  }
0xe6: {  	p0 =	slt.s32 s6, $0x200;
	(v2sf) =	vpush v5, $0xB  }
0xe7: {  	s8 =	spop (v2sf);
	s6 =	simm.s32 @!p0 $0x200;
	(v2sf) =	vpush v5, $0xA  }
0xe8: {  	[smem:$0x7DF] =	sst s6;
	s6 =	sadd.s32 s6, s8;
	(v2sf) =	vpush v5, $0x9  }
0xe9: {  	p0 =	slt.s32 s6, $0x200;
	(v2sf) =	vpush v5, $0x8  }
0xea: {  	s6 =	simm.s32 @!p0 $0x200;
	s9 =	spop (v2sf);
	(v2sf) =	vpush v5, $0x7  }
0xeb: {  	[smem:$0x7E0] =	sst s6;
	s6 =	sadd.s32 s6, s9;
	(v2sf) =	vpush v5, $0x6  }
0xec: {  	p0 =	slt.s32 s6, $0x200;
	(v2sf) =	vpush v5, $0x5  }
0xed: {  	s6 =	simm.s32 @!p0 $0x200;
	(v2sf) =	vpush v5, $0x4;
	s4 =	spop (v2sf)  }
0xee: {  	s10 =	simm.s32 $0x10;
	(v2sf) =	vpush v5, $0x3;
	s4 =	sadd.s32 s6, s4  }
0xef: {  	[smem:$0x7DD] =	sst s5;
	(v2sf) =	vpush v5, $0x2;
	s3 =	spop (v2sf);
	p0 =	slt.s32 s4, $0x200  }
0xf0: {  	v8 =	vimm.s32 $0x0;
	[smem:$0x7E1] =	sst s6;
	(v2sf) =	vpush v5, $0x1;
	s0 =	spop (v2sf);
	s4 =	simm.s32 @!p0 $0x200  }
0xf1: {  	s24 =	simm.s32 $0x20;
	v8 =	vsel vm0, $0xFFFFFFFF, v8;
	(v2sf) =	vpush v5, $0x0;
	s11 =	spop (v2sf);
	[smem:$0x7E3] =	sst s4  }
0xf2: {  	[tilespmem:$0x1FFD0] =	vst v8;
	v8 =	vor.u32 s10, v3;
	(v2sf) =	vpush v5, $0xF;
	s3 =	sadd.s32 s4, s3;
	[smem:$0x7C3] =	sst s11;
	s25 =	spop (v2sf)  }
0xf3: {  	v33 =	vor.u32 s24, v3;
	(v2sf) =	vpush v8, $0xE;
	p0 =	slt.s32 s3, $0x200;
	[smem:$0x7C0] =	sst s25;
	s26 =	spop (v2sf)  }
0xf4: {  	(v2sf) =	vpush v33, $0xE;
	s3 =	simm.s32 @!p0 $0x200;
	[smem:$0x7BD] =	sst s26  }
0xf5: {  	s31 =	spop (v2sf);
	(v2sf) =	vpush v8, $0xD;
	[smem:$0x7E5] =	sst s3  }
0xf6: {  	[smem:$0x7BA] =	sst s31;
	s11 =	spop (v2sf);
	(v2sf) =	vpush v33, $0xD  }
0xf7: {  	[smem:$0x7B7] =	sst s11;
	s12 =	spop (v2sf);
	(v2sf) =	vpush v8, $0xC  }
0xf8: {  	[smem:$0x7B4] =	sst s12;
	s13 =	spop (v2sf);
	(v2sf) =	vpush v33, $0xC  }
0xf9: {  	[smem:$0x7B1] =	sst s13;
	s14 =	spop (v2sf);
	(v2sf) =	vpush v8, $0xB  }
0xfa: {  	[smem:$0x7AE] =	sst s14;
	s15 =	spop (v2sf);
	(v2sf) =	vpush v33, $0xB  }
0xfb: {  	[smem:$0x7AB] =	sst s15;
	s16 =	spop (v2sf);
	(v2sf) =	vpush v8, $0xA  }
0xfc: {  	[smem:$0x7A8] =	sst s16;
	s17 =	spop (v2sf);
	(v2sf) =	vpush v33, $0xA  }
0xfd: {  	[smem:$0x7A5] =	sst s17;
	s18 =	spop (v2sf);
	(v2sf) =	vpush v8, $0x9  }
0xfe: {  	[smem:$0x7A2] =	sst s18;
	s19 =	spop (v2sf);
	(v2sf) =	vpush v33, $0x9  }
0xff: {  	[smem:$0x79F] =	sst s19;
	s20 =	spop (v2sf);
	(v2sf) =	vpush v8, $0x8  }
0x100: {  	[smem:$0x79C] =	sst s20;
	s21 =	spop (v2sf);
	(v2sf) =	vpush v33, $0x8  }
0x101: {  	[smem:$0x79B] =	sst s21;
	s22 =	spop (v2sf);
	(v2sf) =	vpush v8, $0x7  }
0x102: {  	[smem:$0x79A] =	sst s22;
	(v2sf) =	vpush v33, $0x7;
	s23 =	spop (v2sf)  }
0x103: {  	[smem:$0x7C1] =	sst s23;
	(v2sf) =	vpush v8, $0x6;
	s24 =	spop (v2sf)  }
0x104: {  	[smem:$0x7C2] =	sst s24;
	(v2sf) =	vpush v33, $0x6;
	s25 =	spop (v2sf)  }
0x105: {  	[smem:$0x7BE] =	sst s25;
	(v2sf) =	vpush v8, $0x5;
	s26 =	spop (v2sf)  }
0x106: {  	[smem:$0x7BF] =	sst s26;
	(v2sf) =	vpush v33, $0x5;
	s31 =	spop (v2sf)  }
0x107: {  	[smem:$0x7BB] =	sst s31;
	(v2sf) =	vpush v8, $0x4;
	s7 =	spop (v2sf)  }
0x108: {  	[smem:$0x7BC] =	sst s7;
	(v2sf) =	vpush v33, $0x4;
	s8 =	spop (v2sf)  }
0x109: {  	[smem:$0x7B8] =	sst s8;
	(v2sf) =	vpush v8, $0x3;
	s9 =	spop (v2sf)  }
0x10a: {  	[smem:$0x7B9] =	sst s9;
	(v2sf) =	vpush v33, $0x3;
	s10 =	spop (v2sf)  }
0x10b: {  	[smem:$0x7B5] =	sst s10;
	(v2sf) =	vpush v8, $0x2;
	s11 =	spop (v2sf)  }
0x10c: {  	[smem:$0x7B6] =	sst s11;
	(v2sf) =	vpush v33, $0x2;
	s12 =	spop (v2sf)  }
0x10d: {  	s0 =	sadd.s32 s3, s0;
	[smem:$0x7B2] =	sst s12;
	(v2sf) =	vpush v8, $0x1;
	s13 =	spop (v2sf)  }
0x10e: {  	p0 =	slt.s32 s0, $0x200;
	[smem:$0x7B3] =	sst s13;
	(v2sf) =	vpush v33, $0x1;
	s14 =	spop (v2sf)  }
0x10f: {  	s0 =	simm.s32 @!p0 $0x200;
	[smem:$0x7AF] =	sst s14;
	(v2sf) =	vpush v8, $0x0;
	s15 =	spop (v2sf)  }
0x110: {  	v7 =	vmov s0;
	[smem:$0x7B0] =	sst s15;
	(v2sf) =	vpush v33, $0x0;
	s16 =	spop (v2sf)  }
0x111: {  	vm0 =	vgt.s32 v7, $0x1;
	[smem:$0x7AC] =	sst s16;
	(v2sf) =	vpush v8, $0xF;
	s17 =	spop (v2sf)  }
0x112: {  	v5 =	vnsel vm0, $0x1, v7;
	[smem:$0x7AD] =	sst s17;
	(v2sf) =	vpush v33, $0xF;
	s18 =	spop (v2sf)  }
0x113: {  	[smem:$0x7A9] =	sst s18;
	(v2sf) =	vpush v5, $0xE;
	s19 =	spop (v2sf)  }
0x114: {  	[smem:$0x7AA] =	sst s19;
	(v2sf) =	vpush v5, $0xD;
	s20 =	spop (v2sf)  }
0x115: {  	[smem:$0x7A6] =	sst s20;
	(v2sf) =	vpush v5, $0xC;
	s21 =	spop (v2sf)  }
0x116: {  	[smem:$0x7A7] =	sst s21;
	(v2sf) =	vpush v5, $0xB;
	s22 =	spop (v2sf)  }
0x117: {  	[smem:$0x7A3] =	sst s22;
	(v2sf) =	vpush v5, $0xA;
	s23 =	spop (v2sf)  }
0x118: {  	[smem:$0x7A4] =	sst s23;
	(v2sf) =	vpush v5, $0x9;
	s24 =	spop (v2sf)  }
0x119: {  	v31 =	vimm.s32 $0x0;
	[smem:$0x7A0] =	sst s24;
	(v2sf) =	vpush v5, $0x8;
	s25 =	spop (v2sf)  }
0x11a: {  	v32 =	vimm.s32 $0x0;
	[tilespmem:$0x1FF90] =	vst v9;
	v9 =	vsel vm3, $0xFFFFFFFF, v31;
	[smem:$0x7A1] =	sst s25;
	(v2sf) =	vpush v5, $0x7;
	s26 =	spop (v2sf)  }
0x11b: {  	[tilespmem:$0x1FFB0] =	vst v9;
	v9 =	vsel vm2, $0xFFFFFFFF, v32;
	[smem:$0x79D] =	sst s26;
	(v2sf) =	vpush v5, $0x6;
	s31 =	spop (v2sf)  }
0x11c: {  	[tilespmem:$0x1FFC0] =	vst v9;
	[smem:$0x79E] =	sst s31;
	(v2sf) =	vpush v5, $0x5  }
0x11d: {  	s24 =	spop (v2sf)  }
0x11e: {  	(v2sf) =	vpush v5, $0x4;
	s26 =	spop (v2sf)  }
0x11f: {  	(v2sf) =	vpush v5, $0x3;
	s22 =	spop (v2sf)  }
0x120: {  	(v2sf) =	vpush v5, $0x2;
	s23 =	spop (v2sf)  }
0x121: {  	(v2sf) =	vpush v5, $0x1;
	s14 =	spop (v2sf)  }
0x122: {  	s3 =	simm.s32 $0x30;
	(v2sf) =	vpush v5, $0x0;
	s17 =	spop (v2sf)  }
0x123: {  	v8 =	vor.u32 s3, v3;
	(v2sf) =	vpush v5, $0xF;
	s29 =	spop (v2sf)  }
0x124: {  	(v2sf) =	vpush v8, $0xE;
	s11 =	spop (v2sf)  }
0x125: {  	(v2sf) =	vpush v8, $0xD;
	s10 =	spop (v2sf)  }
0x126: {  	(v2sf) =	vpush v8, $0xC;
	s9 =	spop (v2sf)  }
0x127: {  	(v2sf) =	vpush v8, $0xB;
	s8 =	spop (v2sf)  }
0x128: {  	(v2sf) =	vpush v8, $0xA;
	s7 =	spop (v2sf)  }
0x129: {  	(v2sf) =	vpush v8, $0x9;
	s6 =	spop (v2sf)  }
0x12a: {  	(v2sf) =	vpush v8, $0xF;
	s18 =	spop (v2sf)  }
0x12b: {  	(v2sf) =	vpush v8, $0x0;
	s19 =	spop (v2sf)  }
0x12c: {  	(v2sf) =	vpush v8, $0x1;
	s15 =	spop (v2sf)  }
0x12d: {  	(v2sf) =	vpush v8, $0x2;
	s5 =	spop (v2sf)  }
0x12e: {  	(v2sf) =	vpush v8, $0x3;
	s4 =	spop (v2sf)  }
0x12f: {  	(v2sf) =	vpush v8, $0x4;
	s3 =	spop (v2sf)  }
0x130: {  	(v2sf) =	vpush v8, $0x5;
	s28 =	spop (v2sf)  }
0x131: {  	(v2sf) =	vpush v8, $0x6;
	s25 =	spop (v2sf)  }
0x132: {  	(v2sf) =	vpush v8, $0x7;
	s0 =	spop (v2sf)  }
0x133: {  	(v2sf) =	vpush v8, $0x8;
	s31 =	spop (v2sf)  }
0x134: {  	s21 =	spop (v2sf)  }
0x135: {  	s16 =	spop (v2sf)  }
0x136: {  	s20 =	spop (v2sf)  }
0x137: {  	s13 =	spop (v2sf)  }
0x138: {  	s12 =	spop (v2sf)  }
0x139: {  	s30 =	spop (v2sf)  }
0x13a: {  	(drf) =	srem.u32 s30, s0;
	s30 =	spop (v2sf)  }
0x13b: {  	(drf) =	srem.u32 s30, s25;
	s30 =	spop (v2sf)  }
0x13c: {  	(drf) =	srem.u32 s30, s28;
	s30 =	spop (v2sf)  }
0x13d: {  	(drf) =	srem.u32 s30, s3;
	s30 =	spop (v2sf)  }
0x13e: {  	(drf) =	srem.u32 s30, s4;
	s30 =	spop (v2sf)  }
0x13f: {  	(drf) =	srem.u32 s30, s5;
	s30 =	spop (v2sf)  }
0x140: {  	(drf) =	srem.u32 s30, s15;
	s30 =	spop (v2sf)  }
0x141: {  	(drf) =	srem.u32 s30, s19;
	s30 =	spop (v2sf)  }
0x142: {  	(drf) =	srem.u32 s30, s18;
	s30 =	spop (v2sf)  }
0x143: {  	(drf) =	srem.u32 s30, s6;
	s30 =	sld [smem:$0x79A]  }
0x144: {  	(drf) =	srem.u32 s12, s7;
	s12 =	spop (drf)  }
0x145: {  	(drf) =	srem.u32 s13, s8;
	s13 =	spop (drf)  }
0x146: {  	(drf) =	srem.u32 s20, s9;
	s20 =	spop (drf)  }
0x147: {  	(drf) =	srem.u32 s16, s10;
	s16 =	spop (drf)  }
0x148: {  	(drf) =	srem.u32 s21, s11;
	s21 =	spop (drf)  }
0x149: {  	(drf) =	srem.u32 s31, s29;
	s31 =	spop (drf)  }
0x14a: {  	(drf) =	srem.u32 s14, s0;
	s14 =	spop (drf)  }
0x14b: {  	(drf) =	srem.u32 s17, s0;
	s17 =	spop (drf)  }
0x14c: {  	(drf) =	srem.u32 s30, s0;
	s30 =	sld [smem:$0x79B]  }
0x14d: {  	s0 =	spop (drf);
	(drf) =	srem.u32 s22, s25  }
0x14e: {  	s22 =	spop (drf);
	(drf) =	srem.u32 s23, s25  }
0x14f: {  	s23 =	spop (drf);
	(drf) =	srem.u32 s30, s25  }
0x150: {  	s25 =	spop (drf);
	s30 =	sld [smem:$0x79C]  }
0x151: {  	(drf) =	srem.u32 s24, s28;
	s24 =	spop (drf)  }
0x152: {  	(drf) =	srem.u32 s26, s28;
	s26 =	spop (drf)  }
0x153: {  	(drf) =	srem.u32 s30, s28;
	s30 =	sld [smem:$0x79D]  }
0x154: {  	_ = 	snop  }
0x155: {  	s28 =	spop (drf)  }
0x156: {  	(drf) =	srem.u32 s30, s3;
	s30 =	spop (drf)  }
0x157: {  	[smem:$0x7C4] =	sst s30  }
0x158: {  	s30 =	sld [smem:$0x79E];
	_ =	sdelay $0x2  }
0x159: {  	(drf) =	srem.u32 s30, s3;
	s30 =	spop (drf)  }
0x15a: {  	[smem:$0x7C5] =	sst s30  }
0x15b: {  	s30 =	sld [smem:$0x79F];
	_ =	sdelay $0x2  }
0x15c: {  	(drf) =	srem.u32 s30, s3;
	s3 =	spop (drf)  }
0x15d: {  	[smem:$0x7C6] =	sst s3  }
0x15e: {  	s3 =	sld [smem:$0x7A0];
	_ =	sdelay $0x2  }
0x15f: {  	(drf) =	srem.u32 s3, s4;
	s3 =	spop (drf)  }
0x160: {  	[smem:$0x7C7] =	sst s3  }
0x161: {  	s3 =	sld [smem:$0x7A1];
	_ =	sdelay $0x2  }
0x162: {  	(drf) =	srem.u32 s3, s4;
	s3 =	spop (drf)  }
0x163: {  	[smem:$0x7C8] =	sst s3  }
0x164: {  	s3 =	sld [smem:$0x7A2];
	_ =	sdelay $0x1  }
0x165: {  	vm0 =	vcmask $0x300;
	v8 =	vmov s12;
	s12 =	sld [smem:$0x7B5]  }
0x166: {  	vm1 =	vcmask $0x704;
	v8 =	vsel vm0, s13, v8;
	(drf) =	srem.u32 s3, s4;
	s4 =	spop (drf)  }
0x167: {  	vm2 =	vcmask $0xB08;
	v8 =	vsel vm1, s20, v8;
	[smem:$0x7C9] =	sst s4  }
0x168: {  	vm3 =	vcmask $0xF0C;
	v8 =	vsel vm2, s16, v8;
	s4 =	sld [smem:$0x7A3]  }
0x169: {  	vm4 =	vcmask $0x1310;
	s16 =	sld [smem:$0x7B9];
	v8 =	vsel vm3, s21, v8  }
0x16a: {  	vm5 =	vcmask $0x1714;
	s21 =	sld [smem:$0x7BA];
	v8 =	vsel vm4, s31, v8  }
0x16b: {  	vm6 =	vcmask $0x1B18;
	v8 =	vsel vm5, s14, v8;
	(drf) =	srem.u32 s4, s5;
	s4 =	spop (drf)  }
0x16c: {  	vm7 =	vcmask $0x1F1C;
	v8 =	vsel vm6, s17, v8;
	[smem:$0x7CA] =	sst s4  }
0x16d: {  	v8 =	vsel vm7, s0, v8;
	s4 =	sld [smem:$0x7A4]  }
0x16e: {  	s31 =	sld [smem:$0x7BB];
	v8 =	vsel vm8, s22, v8  }
0x16f: {  	v8 =	vsel vm9, s23, v8;
	s23 =	sld [smem:$0x7C1]  }
0x170: {  	(drf) =	srem.u32 s4, s5;
	s4 =	spop (drf)  }
0x171: {  	[smem:$0x7CB] =	sst s4  }
0x172: {  	v8 =	vsel vm10, s25, v8;
	s4 =	sld [smem:$0x7A5]  }
0x173: {  	s25 =	sld [smem:$0x7C2];
	v8 =	vsel vm11, s24, v8  }
0x174: {  	v8 =	vsel vm12, s26, v8;
	s26 =	sld [smem:$0x7C3]  }
0x175: {  	s14 =	sadd.s32 $0x30, s1;
	(drf) =	srem.u32 s4, s5;
	s4 =	sld [smem:$0x7A6]  }
0x176: {  	v37 =	vor.u32 s14, v3;
	s14 =	sld [smem:$0x7C7];
	s5 =	spop (drf)  }
0x177: {  	[smem:$0x7CC] =	sst s5;
	s5 =	spop (drf)  }
0x178: {  	(drf) =	srem.u32 s4, s15;
	s4 =	sld [smem:$0x7A7]  }
0x179: {  	[smem:$0x7CD] =	sst s5;
	s5 =	spop (drf)  }
0x17a: {  	[smem:$0x7CE] =	sst s5  }
0x17b: {  	(drf) =	srem.u32 s4, s15;
	s4 =	sld [smem:$0x7A8]  }
0x17c: {  	s17 =	sadd.s32 $0x40, s1;
	s5 =	sld [smem:$0x7A9]  }
0x17d: {  	v38 =	vor.u32 s17, v3;
	s17 =	sld [smem:$0x7C9]  }
0x17e: {  	(drf) =	srem.u32 s4, s15;
	s15 =	spop (drf)  }
0x17f: {  	s22 =	sadd.s32 $0x50, s1;
	(drf) =	srem.u32 s5, s19;
	s5 =	sld [smem:$0x7AA]  }
0x180: {  	v39 =	vor.u32 s22, v3;
	s24 =	sadd.s32 $0x60, s1;
	s22 =	sld [smem:$0x7CB]  }
0x181: {  	v40 =	vor.u32 s24, v3;
	s24 =	sld [smem:$0x7CD];
	s4 =	spop (drf)  }
0x182: {  	(drf) =	srem.u32 s5, s19;
	s5 =	sld [smem:$0x7AB]  }
0x183: {  	[smem:$0x7CF] =	sst s4;
	s4 =	spop (drf)  }
0x184: {  	[smem:$0x7D0] =	sst s4  }
0x185: {  	s4 =	sld [smem:$0x7AC];
	(drf) =	srem.u32 s5, s19  }
0x186: {  	s19 =	spop (drf);
	s5 =	sld [smem:$0x7AD]  }
0x187: {  	[smem:$0x7D1] =	sst s19  }
0x188: {  	(drf) =	srem.u32 s4, s18;
	s30 =	spop (drf)  }
0x189: {  	s4 =	sld [smem:$0x7AE];
	s19 =	spop (drf)  }
0x18a: {  	[smem:$0x7D2] =	sst s19  }
0x18b: {  	(drf) =	srem.u32 s5, s18;
	s5 =	sld [smem:$0x7AF]  }
0x18c: {  	(drf) =	srem.u32 s4, s18;
	s18 =	spop (drf)  }
0x18d: {  	s4 =	sld [smem:$0x7B0];
	s19 =	spop (drf)  }
0x18e: {  	(drf) =	srem.u32 s5, s6;
	[smem:$0x7D3] =	sst s19  }
0x18f: {  	s19 =	spop (drf);
	s5 =	sld [smem:$0x7B1]  }
0x190: {  	(drf) =	srem.u32 s4, s6;
	s4 =	spop (drf)  }
0x191: {  	[smem:$0x7D4] =	sst s4  }
0x192: {  	s4 =	sld [smem:$0x7B3];
	(drf) =	srem.u32 s5, s6  }
0x193: {  	s5 =	sld [smem:$0x7B2];
	s6 =	spop (drf)  }
0x194: {  	[smem:$0x7D5] =	sst s6  }
0x195: {  	s6 =	sld [smem:$0x7B4]  }
0x196: {  	(drf) =	srem.u32 s5, s7;
	s5 =	spop (drf)  }
0x197: {  	[smem:$0x7D6] =	sst s5  }
0x198: {  	(drf) =	srem.u32 s4, s7;
	s5 =	sld [smem:$0x7B6]  }
0x199: {  	(drf) =	srem.u32 s6, s7;
	s7 =	spop (drf)  }
0x19a: {  	[smem:$0x7D7] =	sst s7  }
0x19b: {  	(drf) =	srem.u32 s12, s8;
	s7 =	sld [smem:$0x7B7]  }
0x19c: {  	s4 =	spop (drf);
	s12 =	sld [smem:$0x7B8]  }
0x19d: {  	[smem:$0x7D8] =	sst s4  }
0x19e: {  	s6 =	spop (drf);
	s4 =	sld [smem:$0x7BC]  }
0x19f: {  	(drf) =	srem.u32 s5, s8;
	[smem:$0x7D9] =	sst s6  }
0x1a0: {  	(drf) =	srem.u32 s7, s8;
	s8 =	spop (drf)  }
0x1a1: {  	[smem:$0x7DA] =	sst s8;
	s13 =	spop (drf)  }
0x1a2: {  	[smem:$0x7DB] =	sst s13  }
0x1a3: {  	(drf) =	srem.u32 s12, s9;
	s13 =	sld [smem:$0x7BE]  }
0x1a4: {  	s12 =	sadd.s32 $0x20, s1;
	(drf) =	srem.u32 s16, s9;
	s16 =	sld [smem:$0x7BF]  }
0x1a5: {  	s20 =	spop (drf);
	v36 =	vor.u32 s12, v3;
	s12 =	sld [smem:$0x7C5]  }
0x1a6: {  	[smem:$0x7DC] =	sst s20  }
0x1a7: {  	(drf) =	srem.u32 s21, s9;
	s9 =	sld [smem:$0x7BD]  }
0x1a8: {  	s5 =	spop (drf);
	s20 =	sld [smem:$0x7C0]  }
0x1a9: {  	(drf) =	srem.u32 s31, s10;
	s31 =	spop (drf)  }
0x1aa: {  	s8 =	simm.s32 $0x40;
	(drf) =	srem.u32 s4, s10;
	s4 =	spop (drf)  }
0x1ab: {  	s6 =	sadd.s32 $0x10, s1;
	v35 =	vor.u32 s8, v3;
	s3 =	spop (drf);
	(drf) =	srem.u32 s9, s10  }
0x1ac: {  	v34 =	vor.u32 s6, v3;
	(v2sf) =	vpush v35, $0xE;
	s6 =	spop (drf);
	(drf) =	srem.u32 s13, s11  }
0x1ad: {  	s13 =	sld [smem:$0x7C6];
	s0 =	spop (drf)  }
0x1ae: {  	(v2sf) =	vpush v35, $0xD;
	(drf) =	srem.u32 s16, s11;
	s16 =	sld [smem:$0x7C8]  }
0x1af: {  	(drf) =	srem.u32 s20, s11;
	s11 =	sld [smem:$0x7C4]  }
0x1b0: {  	(v2sf) =	vpush v35, $0xC;
	s21 =	spop (drf);
	s20 =	sld [smem:$0x7CA]  }
0x1b1: {  	s7 =	spop (drf);
	(drf) =	srem.u32 s23, s29  }
0x1b2: {  	s23 =	sld [smem:$0x7CC];
	s8 =	spop (drf)  }
0x1b3: {  	v8 =	vsel vm13, s28, v8;
	(v2sf) =	vpush v35, $0xB;
	(drf) =	srem.u32 s25, s29;
	s25 =	sld [smem:$0x7CE]  }
0x1b4: {  	v43 =	vmov s14;
	(v2sf) =	vpush v35, $0xA;
	v42 =	vmov s13;
	(drf) =	srem.u32 s26, s29;
	s26 =	sld [smem:$0x7CF]  }
0x1b5: {  	(v2sf) =	vpush v35, $0x9;
	v17 =	vsel vm0, s17, v42;
	v18 =	vsel vm0, s20, v43;
	s20 =	sld [smem:$0x7D1]  }
0x1b6: {  	v41 =	vsel vm14, s11, v8;
	v8 =	vmov s12;
	v17 =	vsel vm1, s23, v17;
	s23 =	sld [smem:$0x7D3]  }
0x1b7: {  	(v2sf) =	vpush v35, $0x8;
	v8 =	vsel vm0, s16, v8;
	v17 =	vsel vm2, s15, v17;
	s15 =	sld [smem:$0x7D0]  }
0x1b8: {  	(v2sf) =	vpush v35, $0x7;
	v18 =	vsel vm1, s24, v18;
	v8 =	vsel vm1, s22, v8;
	s22 =	sld [smem:$0x7D2]  }
0x1b9: {  	(v2sf) =	vpush v35, $0x6;
	v8 =	vsel vm2, s25, v8;
	v18 =	vsel vm2, s26, v18;
	s25 =	sld [smem:$0x7D4];
	s26 =	simm.s32 $0x60  }
0x1ba: {  	v18 =	vsel vm3, s30, v18;
	v46 =	vor.u32 s26, v3;
	s26 =	sld [smem:$0x7D6];
	v8 =	vsel vm3, s15, v8  }
0x1bb: {  	v17 =	vsel vm3, s20, v17;
	v18 =	vsel vm4, s23, v18;
	v8 =	vsel vm4, s22, v8;
	s23 =	spop (v2sf);
	s22 =	sld [smem:$0x7D7]  }
0x1bc: {  	s24 =	simm.s32 $0x50;
	v17 =	vsel vm4, s18, v17;
	[dreg:$0x4] =	wrdreg s23  }
0x1bd: {  	v17 =	vsel vm5, s25, v17;
	v44 =	vsel vm5, s19, v8;
	v8 =	vor.u32 s24, v3;
	s24 =	sld [smem:$0x7D5];
	s25 =	spop (v2sf)  }
0x1be: {  	[dreg:$0x6] =	wrdreg s25  }
0x1bf: {  	s23 =	spop (v2sf);
	s25 =	sld [smem:$0x7D9]  }
0x1c0: {  	[dreg:$0x7] =	wrdreg s23  }
0x1c1: {  	v17 =	vsel vm6, s22, v17;
	s22 =	sld [smem:$0x7DA]  }
0x1c2: {  	v45 =	vsel vm5, s24, v18;
	s24 =	sld [smem:$0x7D8]  }
0x1c3: {  	v19 =	vsel vm6, s26, v44;
	s23 =	sld [smem:$0x7DB]  }
0x1c4: {  	s26 =	spop (v2sf);
	v19 =	vsel vm7, s25, v19;
	s25 =	sld [smem:$0x7DC]  }
0x1c5: {  	[dreg:$0x8] =	wrdreg s26;
	v10 =	vsel vm6, s24, v45;
	s24 =	spop (v2sf)  }
0x1c6: {  	v10 =	vsel vm7, s23, v10;
	[dreg:$0x9] =	wrdreg s24;
	s26 =	spop (v2sf)  }
0x1c7: {  	(v2sf) =	vpush v35, $0x5;
	v19 =	vsel vm8, s25, v19;
	[dreg:$0xc] =	wrdreg s26;
	v10 =	vsel vm8, s31, v10;
	s31 =	spop (v2sf)  }
0x1c8: {  	(v2sf) =	vpush v35, $0x4;
	v17 =	vsel vm7, s22, v17;
	v19 =	vsel vm9, s4, v19;
	[dreg:$0xf] =	wrdreg s31;
	s4 =	spop (v2sf)  }
0x1c9: {  	v17 =	vsel vm8, s5, v17;
	[dreg:$0x10] =	wrdreg s4;
	s5 =	spop (v2sf)  }
0x1ca: {  	[dreg:$0x13] =	wrdreg s5  }
0x1cb: {  	[tilespmem:s2+$0xC100] =	vst.msk vm15, v6  }
0x1cc: {  	v48 =	vld [tilespmem:$0x1FF70];
	_ =	sdelay $0x2  }
0x1cd: {  	(v2sf) =	vpush v35, $0x3;
	v10 =	vsel vm9, s6, v10;
	s6 =	sld [smem:$0x7DD];
	_ =	sdelay $0x1  }
0x1ce: {  	vm15 =	vnez.u8 v48  }
0x1cf: {  	[tilespmem:s6+$0xC100] =	vst.msk vm15, v34  }
0x1d0: {  	v50 =	vld [tilespmem:$0x1FF80];
	_ =	sdelay $0x1  }
0x1d1: {  	v19 =	vsel vm10, s0, v19  }
0x1d2: {  	(v2sf) =	vpush v35, $0x2;
	v47 =	vsel vm11, s8, v19;
	s29 =	spop (v2sf);
	s8 =	sld [smem:$0x7DE]  }
0x1d3: {  	v6 =	vsel vm10, s7, v10;
	s7 =	spop (v2sf)  }
0x1d4: {  	[dreg:$0x16] =	wrdreg s7;
	vm15 =	vnez.u8 v50  }
0x1d5: {  	[tilespmem:s8+$0xC100] =	vst.msk vm15, v36  }
0x1d6: {  	v11 =	vld [tilespmem:$0x1FF90];
	_ =	sdelay $0x1  }
0x1d7: {  	v17 =	vsel vm9, s3, v17  }
0x1d8: {  	s9 =	spop (drf);
	(v2sf) =	vpush v35, $0x1;
	v17 =	vsel vm10, s21, v17;
	s10 =	sld [smem:$0x7DF]  }
0x1d9: {  	v49 =	vsel vm11, s9, v17;
	s9 =	spop (v2sf)  }
0x1da: {  	[dreg:$0x19] =	wrdreg s9;
	vm15 =	vnez.u8 v11  }
0x1db: {  	[tilespmem:s10+$0xC100] =	vst.msk vm15, v37  }
0x1dc: {  	v51 =	vld [tilespmem:$0x1FFA0]  }
0x1dd: {  	s11 =	spop (drf)  }
0x1de: {  	s12 =	spop (drf)  }
0x1df: {  	(v2sf) =	vpush v35, $0x0;
	v10 =	vsel vm12, s12, v47;
	s12 =	sld [smem:$0x7E0]  }
0x1e0: {  	v6 =	vsel vm11, s11, v6;
	s11 =	spop (v2sf)  }
0x1e1: {  	[dreg:$0x1c] =	wrdreg s11;
	vm15 =	vnez.u8 v51  }
0x1e2: {  	[tilespmem:s12+$0xC100] =	vst.msk vm15, v38  }
0x1e3: {  	v52 =	vld [tilespmem:$0x1FFB0]  }
0x1e4: {  	s13 =	spop (drf)  }
0x1e5: {  	s14 =	spop (drf)  }
0x1e6: {  	(v2sf) =	vpush v35, $0xF;
	v6 =	vsel vm12, s14, v6;
	s14 =	sld [smem:$0x7E1]  }
0x1e7: {  	v9 =	vsel vm12, s13, v49;
	s13 =	spop (v2sf)  }
0x1e8: {  	s16 =	spop (drf);
	(v2sf) =	vpush v8, $0xE;
	[dreg:$0x1d] =	wrdreg s13;
	vm15 =	vnez.u8 v52  }
0x1e9: {  	s17 =	spop (drf);
	(v2sf) =	vpush v46, $0xE;
	[tilespmem:s14+$0xC100] =	vst.msk vm15, v39  }
0x1ea: {  	s15 =	spop (drf);
	(v2sf) =	vpush v8, $0xD;
	v53 =	vld [tilespmem:$0x1FFC0]  }
0x1eb: {  	s20 =	spop (drf);
	(v2sf) =	vpush v46, $0xD  }
0x1ec: {  	s18 =	spop (drf);
	(v2sf) =	vpush v8, $0xC;
	v9 =	vsel vm13, s17, v9  }
0x1ed: {  	(v2sf) =	vpush v46, $0xC;
	v9 =	vsel vm14, s18, v9;
	s18 =	sld [smem:$0x7E3]  }
0x1ee: {  	(v2sf) =	vpush v8, $0xB;
	s17 =	spop (v2sf)  }
0x1ef: {  	(v2sf) =	vpush v46, $0xB;
	[smem:$0x7E2] =	sst s17;
	vm15 =	vnez.u8 v53  }
0x1f0: {  	(v2sf) =	vpush v8, $0xA;
	[tilespmem:s18+$0xC100] =	vst.msk vm15, v40  }
0x1f1: {  	(v2sf) =	vpush v46, $0xA;
	v12 =	vld [tilespmem:$0x1FFD0];
	_ =	sdelay $0x1  }
0x1f2: {  	(v2sf) =	vpush v8, $0x9;
	v10 =	vsel vm13, s16, v10  }
0x1f3: {  	s19 =	spop (drf);
	v10 =	vsel vm14, s20, v10;
	v6 =	vsel vm13, s15, v6;
	s20 =	sld [smem:$0x7E5]  }
0x1f4: {  	(v2sf) =	vpush v46, $0x9;
	s16 =	sadd.s32 $0x70, s1;
	v6 =	vsel vm14, s19, v6;
	s19 =	spop (v2sf)  }
0x1f5: {  	v54 =	vor.u32 s16, v3;
	[smem:$0x7E4] =	sst s19;
	vm15 =	vnez.u8 v12  }
0x1f6: {  	(v2sf) =	vpush v8, $0x8;
	s21 =	spop (v2sf);
	[tilespmem:s20+$0xC100] =	vst.msk vm15, v54  }
0x1f7: {  	s22 =	simm.s32 $0xC100;
	s23 =	spop (v2sf);
	[dreg:$0xb] =	wrdreg s21  }
0x1f8: {  	s24 =	spop (v2sf);
	v11 =	vld.idx.msk [tilespmem:v41+s22+$0x0], $0xffff;
	[dreg:$0xa] =	wrdreg s23  }
0x1f9: {  	(v2sf) =	vpush v46, $0x8;
	s25 =	spop (v2sf);
	v10 =	vld.idx.msk [tilespmem:v10+s22+$0x0], $0xffff;
	[dreg:$0xe] =	wrdreg s24  }
0x1fa: {  	(v2sf) =	vpush v8, $0x7;
	s26 =	spop (v2sf);
	v9 =	vld.idx.msk [tilespmem:v9+s22+$0x0], $0xffff;
	[dreg:$0xd] =	wrdreg s25  }
0x1fb: {  	(v2sf) =	vpush v46, $0x7;
	s31 =	spop (v2sf);
	v6 =	vld.idx.msk [tilespmem:v6+s22+$0x0], $0xffff;
	[dreg:$0x12] =	wrdreg s26  }
0x1fc: {  	(v2sf) =	vpush v8, $0x6;
	s1 =	spop (v2sf);
	[dreg:$0x11] =	wrdreg s31  }
0x1fd: {  	(v2sf) =	vpush v46, $0x6;
	s2 =	spop (v2sf);
	[dreg:$0x14] =	wrdreg s1  }
0x1fe: {  	s3 =	spop (v2sf);
	vm15 =	veq.s32 v7, $0x0;
	[dreg:$0x15] =	wrdreg s2  }
0x1ff: {  	(v2sf) =	vpush v8, $0x5;
	s5 =	spop (v2sf);
	[dreg:$0x17] =	wrdreg s3;
	v7 =	vsel vm15, $0x0, v11;
	v11 =	vadd.s32 v1, v11  }
0x200: {  	s4 =	simm.s32 $0xC330;
	[dreg:$0x18] =	wrdreg s5;
	v11 =	vsel vm15, $0x20000, v11  }
0x201: {  	(v2sf) =	vpush v46, $0x5;
	s6 =	spop (v2sf);
	v55 =	vsel vm15, $0x0, v10;
	v10 =	vadd.s32 v1, v10;
	[tilespmem:s4+$0x10] =	vst v11  }
0x202: {  	(v2sf) =	vpush v8, $0x4;
	v10 =	vsel vm15, $0x20000, v10;
	[dreg:$0x1a] =	wrdreg s6  }
0x203: {  	s7 =	simm.s32 $0x0;
	(v2sf) =	vpush v46, $0x4;
	s8 =	spop (v2sf);
	v56 =	vsel vm15, $0x0, v9;
	v9 =	vadd.s32 v1, v9;
	[tilespmem:s4+$0xFFFFFFF0] =	vst v10  }
0x204: {  	(v2sf) =	vpush v8, $0x3;
	v9 =	vsel vm15, $0x20000, v9;
	v11 =	vld.idx.msk [tilespmem:v7+s7+$0x0], $0xffff;
	[dreg:$0x1b] =	wrdreg s8  }
0x205: {  	(v2sf) =	vpush v46, $0x3;
	s9 =	spop (v2sf);
	v57 =	vsel vm15, $0x0, v6;
	[tilespmem:s4+$0x0] =	vst v9  }
0x206: {  	(v2sf) =	vpush v8, $0x2;
	s10 =	simm.s32 $0xC330;
	v6 =	vadd.s32 v1, v6;
	v58 =	vld.idx.msk [tilespmem:v55+s7+$0x0], $0xffff;
	[dreg:$0x1e] =	wrdreg s9  }
0x207: {  	(v2sf) =	vpush v46, $0x2;
	v6 =	vsel vm15, $0x20000, v6;
	[dreg:$0x5] =	wrdreg s10  }
0x208: {  	(v2sf) =	vpush v8, $0x1;
	s11 =	spop (v2sf);
	[tilespmem:s4+$0xFFFFFFE0] =	vst v6  }
0x209: {  	(v2sf) =	vpush v46, $0x1;
	s12 =	spop (v2sf);
	v59 =	vld.idx.msk [tilespmem:v56+s7+$0x0], $0xffff;
	[dreg:$0x1f] =	wrdreg s11  }
0x20a: {  	(v2sf) =	vpush v8, $0x0;
	s13 =	spop (v2sf);
	v15 =	vld.idx.msk [tilespmem:v57+s7+$0x0], $0xffff;
	[smem:$0x7E6] =	sst s12  }
0x20b: {  	(v2sf) =	vpush v46, $0x0;
	s14 =	spop (v2sf);
	v6 =	vsel vm15, $0x0, v4;
	[smem:$0x7E7] =	sst s13  }
0x20c: {  	(v2sf) =	vpush v8, $0xF;
	s15 =	spop (v2sf);
	v8 =	vmul.f32 v11, v6;
	[smem:$0x7E8] =	sst s14  }
0x20d: {  	s8 =	simm.s32 $0xE730;
	[smem:$0x7E9] =	sst s15  }
0x20e: {  	s16 =	spop (v2sf);
	v9 =	vmul.f32 v58, v6;
	[tilespmem:s8+$0xFFFFFE10] =	vst v8  }
0x20f: {  	[smem:$0x7EA] =	sst s16  }
0x210: {  	s17 =	simm.s32 $0x4000;
	s18 =	spop (v2sf);
	v8 =	vmul.f32 v59, v6;
	[tilespmem:s8+$0xFFFFFDF0] =	vst v9  }
0x211: {  	(v2sf) =	vpush v46, $0xF;
	v60 =	vld.idx.msk [tilespmem:v7+s17+$0x0], $0xffff;
	[smem:$0x7EB] =	sst s18  }
0x212: {  	(v2sf) =	vpush v5, $0xE;
	s19 =	spop (v2sf);
	v61 =	vmul.f32 v15, v6;
	[tilespmem:s8+$0xFFFFFE00] =	vst v8  }
0x213: {  	(v2sf) =	vpush v5, $0xD;
	v9 =	vld.idx.msk [tilespmem:v55+s17+$0x0], $0xffff;
	[smem:$0x7EC] =	sst s19  }
0x214: {  	(v2sf) =	vpush v5, $0xC;
	s20 =	spop (v2sf);
	[tilespmem:s8+$0xFFFFFDE0] =	vst v61  }
0x215: {  	(v2sf) =	vpush v5, $0xB;
	s21 =	spop (v2sf);
	v8 =	vld.idx.msk [tilespmem:v56+s17+$0x0], $0xffff;
	[smem:$0x7ED] =	sst s20  }
0x216: {  	(v2sf) =	vpush v5, $0xA;
	s22 =	spop (v2sf);
	v11 =	vld.idx.msk [tilespmem:v57+s17+$0x0], $0xffff;
	[smem:$0x7EE] =	sst s21  }
0x217: {  	(v2sf) =	vpush v5, $0x9;
	s23 =	spop (v2sf);
	[smem:$0x7EF] =	sst s22  }
0x218: {  	(v2sf) =	vpush v5, $0x8;
	s24 =	spop (v2sf);
	v10 =	vmul.f32 v60, v6;
	[smem:$0x7F0] =	sst s23  }
0x219: {  	(v2sf) =	vpush v5, $0x7;
	[smem:$0x7F1] =	sst s24  }
0x21a: {  	(v2sf) =	vpush v5, $0x6;
	s25 =	spop (v2sf);
	v9 =	vmul.f32 v9, v6;
	[tilespmem:s8+$0x10] =	vst v10  }
0x21b: {  	(v2sf) =	vpush v5, $0x5;
	s26 =	simm.s32 $0x8000;
	[smem:$0x7F2] =	sst s25;
	v8 =	vmul.f32 v8, v6  }
0x21c: {  	(v2sf) =	vpush v5, $0x4;
	s5 =	spop (v2sf);
	v10 =	vld.idx.msk [tilespmem:v7+s26+$0x0], $0xffff;
	[tilespmem:s8+$0xFFFFFFF0] =	vst v9;
	v7 =	vmul.f32 v11, v6  }
0x21d: {  	(v2sf) =	vpush v5, $0x3;
	s28 =	spop (v2sf);
	v9 =	vld.idx.msk [tilespmem:v55+s26+$0x0], $0xffff;
	[tilespmem:s8+$0x0] =	vst v8  }
0x21e: {  	(v2sf) =	vpush v5, $0x2;
	s0 =	spop (v2sf);
	v8 =	vld.idx.msk [tilespmem:v56+s26+$0x0], $0xffff;
	[tilespmem:s8+$0xFFFFFFE0] =	vst v7  }
0x21f: {  	(v2sf) =	vpush v5, $0x1;
	s15 =	spop (v2sf);
	v62 =	vld.idx.msk [tilespmem:v57+s26+$0x0], $0xffff  }
0x220: {  	s31 =	simm.s32 $0x70;
	(v2sf) =	vpush v5, $0x0;
	s17 =	spop (v2sf)  }
0x221: {  	(v2sf) =	vpush v5, $0xF;
	s13 =	spop (v2sf);
	v7 =	vor.u32 s31, v3;
	v10 =	vmul.f32 v10, v6  }
0x222: {  	s9 =	spop (v2sf);
	(v2sf) =	vpush v7, $0xE;
	v9 =	vmul.f32 v9, v6  }
0x223: {  	s2 =	spop (v2sf);
	(v2sf) =	vpush v7, $0xD;
	[tilespmem:s8+$0x210] =	vst v10;
	v8 =	vmul.f32 v8, v6  }
0x224: {  	s22 =	spop (v2sf);
	(v2sf) =	vpush v7, $0xC;
	[tilespmem:s8+$0x1F0] =	vst v9;
	v63 =	vmul.f32 v62, v6  }
0x225: {  	s25 =	spop (v2sf);
	(v2sf) =	vpush v7, $0xB;
	[tilespmem:s8+$0x200] =	vst v8  }
0x226: {  	s16 =	simm.s32 $0x80;
	s30 =	spop (v2sf);
	(v2sf) =	vpush v7, $0xA;
	[tilespmem:s8+$0x1E0] =	vst v63  }
.LBB2_5:
0x227: {  	s3 =	spop (v2sf);
	(v2sf) =	vpush v7, $0x9  }
0x228: {  	s7 =	spop (v2sf);
	(v2sf) =	vpush v7, $0xF  }
0x229: {  	s10 =	spop (v2sf);
	(v2sf) =	vpush v7, $0x0  }
0x22a: {  	s11 =	spop (v2sf);
	(v2sf) =	vpush v7, $0x1  }
0x22b: {  	s12 =	spop (v2sf);
	(v2sf) =	vpush v7, $0x2  }
0x22c: {  	s31 =	spop (v2sf);
	(v2sf) =	vpush v7, $0x3  }
0x22d: {  	s19 =	spop (v2sf);
	(v2sf) =	vpush v7, $0x4  }
0x22e: {  	s21 =	spop (v2sf);
	(v2sf) =	vpush v7, $0x5  }
0x22f: {  	s23 =	spop (v2sf);
	(v2sf) =	vpush v7, $0x6  }
0x230: {  	s24 =	spop (v2sf);
	(v2sf) =	vpush v7, $0x7  }
0x231: {  	(v2sf) =	vpush v7, $0x8;
	s26 =	spop (v2sf)  }
0x232: {  	[smem:$0x799] =	sst s29;
	s29 =	spop (v2sf)  }
0x233: {  	s1 =	spop (v2sf)  }
0x234: {  	s4 =	spop (v2sf)  }
0x235: {  	s6 =	spop (v2sf)  }
0x236: {  	s18 =	spop (v2sf)  }
0x237: {  	s20 =	spop (v2sf)  }
0x238: {  	s14 =	spop (v2sf);
	(drf) =	srem.u32 s20, s24  }
0x239: {  	(drf) =	srem.u32 s14, s23;
	s20 =	spop (v2sf)  }
0x23a: {  	(drf) =	srem.u32 s20, s21;
	s20 =	spop (v2sf)  }
0x23b: {  	(drf) =	srem.u32 s20, s19;
	s20 =	spop (v2sf)  }
0x23c: {  	(drf) =	srem.u32 s20, s31;
	s20 =	spop (v2sf)  }
0x23d: {  	(drf) =	srem.u32 s20, s12;
	s20 =	spop (v2sf)  }
0x23e: {  	(drf) =	srem.u32 s20, s11;
	s20 =	spop (v2sf)  }
0x23f: {  	(drf) =	srem.u32 s20, s10;
	s20 =	spop (v2sf)  }
0x240: {  	(drf) =	srem.u32 s20, s7;
	s14 =	spop (v2sf)  }
0x241: {  	s20 =	spop (drf);
	(drf) =	srem.u32 s14, s3  }
0x242: {  	v7 =	vmov s20;
	s20 =	spop (drf);
	(drf) =	srem.u32 s18, s30  }
0x243: {  	s18 =	spop (drf);
	(drf) =	srem.u32 s6, s25  }
0x244: {  	v7 =	vsel vm0, s20, v7;
	s6 =	sld [smem:$0x7E4];
	s20 =	spop (drf)  }
0x245: {  	(drf) =	srem.u32 s4, s22;
	s14 =	spop (drf)  }
0x246: {  	v7 =	vsel vm1, s18, v7;
	(drf) =	srem.u32 s1, s2;
	s1 =	rddreg [dreg:$0x1d]  }
0x247: {  	v7 =	vsel vm2, s20, v7;
	s18 =	spop (drf);
	(drf) =	srem.u32 s29, s9  }
0x248: {  	v7 =	vsel vm3, s14, v7;
	s20 =	spop (drf);
	(drf) =	srem.u32 s26, s13  }
0x249: {  	v7 =	vsel vm4, s18, v7;
	s18 =	sld [smem:$0x7E2];
	(drf) =	srem.u32 s15, s24  }
0x24a: {  	s26 =	spop (drf);
	(drf) =	srem.u32 s17, s24  }
0x24b: {  	v7 =	vsel vm5, s20, v7;
	s4 =	spop (drf);
	(drf) =	srem.u32 s6, s24  }
0x24c: {  	v7 =	vsel vm6, s26, v7;
	s14 =	spop (drf);
	s6 =	sld [smem:$0x7F0]  }
0x24d: {  	v7 =	vsel vm7, s4, v7;
	(drf) =	srem.u32 s28, s23;
	s15 =	spop (drf)  }
0x24e: {  	v7 =	vsel vm8, s14, v7;
	(drf) =	srem.u32 s0, s23;
	s17 =	spop (drf)  }
0x24f: {  	v7 =	vsel vm9, s15, v7;
	s15 =	sld [smem:$0x7F1];
	(drf) =	srem.u32 s18, s23  }
0x250: {  	s20 =	spop (drf);
	s23 =	sld [smem:$0x7F2]  }
0x251: {  	v7 =	vsel vm10, s17, v7;
	s18 =	rddreg [dreg:$0x1c];
	s24 =	spop (drf)  }
0x252: {  	v7 =	vsel vm11, s20, v7;
	s20 =	sld [smem:$0x7EE];
	s26 =	spop (drf)  }
0x253: {  	v7 =	vsel vm12, s24, v7;
	(drf) =	srem.u32 s23, s21;
	s23 =	sld [smem:$0x7EF]  }
0x254: {  	v7 =	vsel vm13, s26, v7;
	s4 =	spop (drf);
	s26 =	rddreg [dreg:$0x19]  }
0x255: {  	(drf) =	srem.u32 s5, s21;
	s5 =	spop (drf)  }
0x256: {  	v7 =	vsel vm14, s4, v7;
	s4 =	sld [smem:$0x7EC];
	(drf) =	srem.u32 s1, s21  }
0x257: {  	s14 =	spop (drf);
	(drf) =	srem.u32 s6, s19  }
0x258: {  	v9 =	vmov s14;
	s17 =	spop (drf);
	s14 =	sld [smem:$0x7ED]  }
0x259: {  	(drf) =	srem.u32 s15, s19;
	v10 =	vmov s17;
	s17 =	rddreg [dreg:$0x16]  }
0x25a: {  	(drf) =	srem.u32 s18, s19;
	s19 =	spop (drf)  }
0x25b: {  	v8 =	vmov s5;
	(drf) =	srem.u32 s20, s31;
	s21 =	spop (drf)  }
0x25c: {  	v8 =	vsel vm0, s19, v8;
	s19 =	sld [smem:$0x7EA];
	(drf) =	srem.u32 s23, s31  }
0x25d: {  	v9 =	vsel vm0, s21, v9;
	s24 =	spop (drf);
	s21 =	sld [smem:$0x7EB]  }
0x25e: {  	(drf) =	srem.u32 s26, s31;
	v10 =	vsel vm0, s24, v10;
	s24 =	sld [smem:$0x799]  }
0x25f: {  	s31 =	spop (drf);
	(drf) =	srem.u32 s4, s12  }
0x260: {  	v8 =	vsel vm1, s31, v8;
	s6 =	spop (drf);
	s31 =	sld [smem:$0x7E8]  }
0x261: {  	(drf) =	srem.u32 s14, s12;
	s14 =	rddreg [dreg:$0x5]  }
0x262: {  	v9 =	vsel vm1, s6, v9;
	s15 =	spop (drf);
	s6 =	sld [smem:$0x7E9]  }
0x263: {  	(drf) =	srem.u32 s17, s12;
	s12 =	rddreg [dreg:$0x13]  }
0x264: {  	s17 =	sld [smem:$0x7E6];
	s18 =	spop (drf)  }
0x265: {  	(drf) =	srem.u32 s19, s11;
	s19 =	sld [smem:$0x7E7]  }
0x266: {  	s20 =	spop (drf);
	(drf) =	srem.u32 s21, s11  }
0x267: {  	s5 =	simm.s32 $0xC100;
	s21 =	rddreg [dreg:$0x10];
	s23 =	spop (drf)  }
0x268: {  	v7 =	vld.idx.msk [tilespmem:v7+s5+$0x0], $0xffff;
	(drf) =	srem.u32 s24, s11;
	s24 =	rddreg [dreg:$0x1e]  }
0x269: {  	s26 =	spop (drf);
	(drf) =	srem.u32 s31, s10  }
0x26a: {  	s31 =	rddreg [dreg:$0x1f];
	s4 =	spop (drf)  }
0x26b: {  	(drf) =	srem.u32 s6, s10;
	s11 =	spop (drf)  }
0x26c: {  	(drf) =	srem.u32 s12, s10;
	s10 =	rddreg [dreg:$0xf]  }
0x26d: {  	v11 =	vsel vm15, $0x0, v7;
	s12 =	rddreg [dreg:$0x1a]  }
0x26e: {  	v7 =	vadd.s32 v1, v7;
	v10 =	vsel vm1, s15, v10;
	v8 =	vsel vm2, s18, v8;
	s15 =	spop (drf);
	(drf) =	srem.u32 s17, s7  }
0x26f: {  	v7 =	vsel vm15, $0x20000, v7;
	v9 =	vsel vm2, s20, v9;
	v8 =	vsel vm3, s26, v8;
	s6 =	sadd.s32 $0x40, s14;
	s18 =	spop (drf);
	(drf) =	srem.u32 s19, s7  }
0x270: {  	v9 =	vsel vm3, s4, v9;
	[tilespmem:s6+$0x10] =	vst v7;
	v7 =	vsel vm4, s15, v8;
	s15 =	rddreg [dreg:$0x1b];
	s20 =	spop (drf)  }
0x271: {  	v10 =	vsel vm2, s23, v10;
	v9 =	vsel vm4, s18, v9;
	(drf) =	srem.u32 s21, s7;
	s18 =	rddreg [dreg:$0xc]  }
0x272: {  	v10 =	vsel vm3, s11, v10;
	s23 =	spop (drf);
	(drf) =	srem.u32 s24, s3  }
0x273: {  	v10 =	vsel vm4, s20, v10;
	s20 =	rddreg [dreg:$0x17];
	s26 =	spop (drf)  }
0x274: {  	v7 =	vsel vm5, s23, v7;
	(drf) =	srem.u32 s31, s3;
	s23 =	rddreg [dreg:$0x18]  }
0x275: {  	s7 =	spop (drf);
	(drf) =	srem.u32 s10, s3  }
0x276: {  	v9 =	vsel vm5, s26, v9;
	s26 =	rddreg [dreg:$0x9];
	s11 =	spop (drf)  }
0x277: {  	v10 =	vsel vm5, s7, v10;
	(drf) =	srem.u32 s12, s30;
	s7 =	rddreg [dreg:$0x14]  }
0x278: {  	s14 =	spop (drf);
	(drf) =	srem.u32 s15, s30  }
0x279: {  	v7 =	vsel vm6, s11, v7;
	s11 =	rddreg [dreg:$0x15];
	s17 =	spop (drf)  }
0x27a: {  	v12 =	vor.u32 s16, v3;
	v9 =	vsel vm6, s14, v9;
	(drf) =	srem.u32 s18, s30;
	s14 =	rddreg [dreg:$0x8]  }
0x27b: {  	(v2sf) =	vpush v12, $0xE;
	s19 =	spop (drf);
	(drf) =	srem.u32 s20, s25  }
0x27c: {  	v10 =	vsel vm6, s17, v10;
	s17 =	rddreg [dreg:$0x12];
	s21 =	spop (drf)  }
0x27d: {  	v7 =	vsel vm7, s19, v7;
	(drf) =	srem.u32 s23, s25;
	s19 =	rddreg [dreg:$0x11]  }
0x27e: {  	(v2sf) =	vpush v12, $0xD;
	s4 =	simm.s32 $0x0;
	s23 =	rddreg [dreg:$0xe];
	s24 =	spop (drf)  }
0x27f: {  	v8 =	vld.idx.msk [tilespmem:v11+s4+$0x0], $0xffff;
	v9 =	vsel vm7, s21, v9;
	(drf) =	srem.u32 s26, s25;
	s21 =	rddreg [dreg:$0x7]  }
0x280: {  	s25 =	rddreg [dreg:$0xd];
	s31 =	spop (drf)  }
0x281: {  	(drf) =	srem.u32 s7, s22;
	s10 =	spop (drf)  }
0x282: {  	v7 =	vsel vm8, s31, v7;
	(drf) =	srem.u32 s11, s22;
	s31 =	rddreg [dreg:$0x6]  }
0x283: {  	s11 =	rddreg [dreg:$0xa];
	s12 =	spop (drf)  }
0x284: {  	v8 =	vmul.f32 v8, v6;
	(drf) =	srem.u32 s14, s22;
	s15 =	spop (drf)  }
0x285: {  	s8 =	sadd.s32 $0x40, s8;
	(v2sf) =	vpush v12, $0xC;
	(drf) =	srem.u32 s17, s2;
	s18 =	spop (drf)  }
0x286: {  	(v2sf) =	vpush v12, $0xB;
	s3 =	simm.s32 $0x4000;
	[tilespmem:s8+$0xFFFFFE10] =	vst v8;
	(drf) =	srem.u32 s19, s2;
	s20 =	spop (drf)  }
0x287: {  	(v2sf) =	vpush v12, $0xA;
	v8 =	vld.idx.msk [tilespmem:v11+s3+$0x0], $0xffff;
	(drf) =	srem.u32 s21, s2;
	s22 =	spop (drf)  }
0x288: {  	(v2sf) =	vpush v12, $0x9;
	v10 =	vsel vm7, s24, v10;
	(drf) =	srem.u32 s23, s9;
	s24 =	spop (drf)  }
0x289: {  	(v2sf) =	vpush v12, $0x8;
	(drf) =	srem.u32 s25, s9;
	s26 =	spop (drf)  }
0x28a: {  	(v2sf) =	vpush v12, $0x7;
	(drf) =	srem.u32 s31, s9;
	s31 =	spop (v2sf)  }
0x28b: {  	(v2sf) =	vpush v12, $0x6;
	v7 =	vsel vm9, s15, v7;
	s9 =	rddreg [dreg:$0xb];
	s2 =	spop (drf)  }
0x28c: {  	v9 =	vsel vm8, s10, v9;
	v8 =	vmul.f32 v8, v6;
	v7 =	vsel vm10, s22, v7;
	(drf) =	srem.u32 s9, s13;
	s10 =	spop (drf)  }
0x28d: {  	(v2sf) =	vpush v12, $0x5;
	v7 =	vsel vm11, s2, v7;
	(drf) =	srem.u32 s11, s13;
	s2 =	spop (v2sf)  }
0x28e: {  	(v2sf) =	vpush v12, $0x4;
	s7 =	simm.s32 $0x8000;
	v10 =	vsel vm8, s12, v10;
	[tilespmem:s8+$0x10] =	vst v8;
	s12 =	spop (drf)  }
0x28f: {  	(v2sf) =	vpush v12, $0x3;
	v8 =	vld.idx.msk [tilespmem:v11+s7+$0x0], $0xffff;
	s15 =	spop (drf)  }
0x290: {  	(v2sf) =	vpush v12, $0x2;
	s17 =	spop (drf)  }
0x291: {  	(v2sf) =	vpush v12, $0x1;
	v9 =	vsel vm9, s18, v9;
	s18 =	spop (drf)  }
0x292: {  	(v2sf) =	vpush v12, $0x0;
	s19 =	spop (drf)  }
0x293: {  	(v2sf) =	vpush v12, $0xF;
	s14 =	rddreg [dreg:$0x4];
	v10 =	vsel vm9, s20, v10;
	v9 =	vsel vm10, s24, v9;
	s20 =	spop (drf)  }
0x294: {  	v8 =	vmul.f32 v8, v6;
	v9 =	vsel vm11, s10, v9;
	(drf) =	srem.u32 s14, s13;
	v7 =	vsel vm12, s15, v7;
	s21 =	spop (drf)  }
0x295: {  	s24 =	sadd.s32 $0x10, s16;
	v10 =	vsel vm10, s26, v10;
	v9 =	vsel vm12, s17, v9;
	v7 =	vsel vm13, s19, v7;
	s22 =	spop (drf)  }
0x296: {  	s26 =	sadd.s32 $0x20, s16;
	[tilespmem:s8+$0x210] =	vst v8;
	v8 =	vsel vm13, s20, v9;
	v58 =	vsel vm14, s22, v7;
	s23 =	spop (drf);
	v7 =	vor.u32 s24, v3  }
0x297: {  	s9 =	spop (v2sf);
	v59 =	vsel vm14, s23, v8;
	v8 =	vor.u32 s26, v3;
	(v2sf) =	vpush v7, $0xE  }
0x298: {  	s10 =	spop (v2sf);
	(v2sf) =	vpush v8, $0xE  }
0x299: {  	s11 =	spop (v2sf);
	(v2sf) =	vpush v7, $0xD  }
0x29a: {  	v10 =	vsel vm11, s12, v10;
	s12 =	spop (v2sf);
	(v2sf) =	vpush v8, $0xD  }
0x29b: {  	s13 =	spop (v2sf);
	(v2sf) =	vpush v7, $0xC  }
0x29c: {  	v10 =	vsel vm12, s18, v10;
	s14 =	spop (v2sf);
	(v2sf) =	vpush v8, $0xC  }
0x29d: {  	v57 =	vsel vm13, s21, v10;
	s25 =	spop (drf);
	(v2sf) =	vpush v7, $0xB  }
0x29e: {  	s15 =	spop (v2sf);
	v9 =	vsel vm14, s25, v57;
	(v2sf) =	vpush v8, $0xB  }
0x29f: {  	s29 =	spop (v2sf);
	(v2sf) =	vpush v7, $0xA  }
0x2a0: {  	s17 =	spop (v2sf)  }
0x2a1: {  	s18 =	spop (v2sf);
	v10 =	vld.idx.msk [tilespmem:v58+s5+$0x0], $0xffff  }
0x2a2: {  	[dreg:$0x5] =	wrdreg s6;
	s19 =	spop (v2sf);
	v11 =	vld.idx.msk [tilespmem:v59+s5+$0x0], $0xffff;
	(v2sf) =	vpush v8, $0xA  }
0x2a3: {  	[dreg:$0x4] =	wrdreg s31;
	s20 =	spop (v2sf);
	v9 =	vld.idx.msk [tilespmem:v9+s5+$0x0], $0xffff;
	(v2sf) =	vpush v7, $0x9  }
0x2a4: {  	[dreg:$0x6] =	wrdreg s2;
	s21 =	spop (v2sf);
	(v2sf) =	vpush v8, $0x9  }
0x2a5: {  	[dreg:$0x7] =	wrdreg s9;
	s22 =	spop (v2sf);
	(v2sf) =	vpush v7, $0x8  }
0x2a6: {  	[dreg:$0x8] =	wrdreg s10;
	v60 =	vsel vm15, $0x0, v10;
	s23 =	spop (v2sf);
	(v2sf) =	vpush v8, $0x8  }
0x2a7: {  	[dreg:$0x9] =	wrdreg s11;
	v13 =	vsel vm15, $0x0, v11;
	(v2sf) =	vpush v7, $0x7;
	s24 =	spop (v2sf)  }
0x2a8: {  	[dreg:$0xc] =	wrdreg s12;
	v10 =	vadd.s32 v1, v10;
	v14 =	vsel vm15, $0x0, v9;
	s25 =	spop (v2sf);
	(v2sf) =	vpush v8, $0x7  }
0x2a9: {  	[dreg:$0xf] =	wrdreg s13;
	v10 =	vsel vm15, $0x20000, v10;
	v11 =	vadd.s32 v1, v11;
	(v2sf) =	vpush v7, $0x6;
	s26 =	spop (v2sf)  }
0x2aa: {  	[dreg:$0x10] =	wrdreg s14;
	v9 =	vadd.s32 v1, v9;
	[tilespmem:s6+$0xFFFFFFF0] =	vst v10;
	v61 =	vsel vm15, $0x20000, v11;
	s31 =	spop (v2sf);
	(v2sf) =	vpush v8, $0x6  }
0x2ab: {  	[dreg:$0x13] =	wrdreg s15;
	v9 =	vsel vm15, $0x20000, v9;
	[tilespmem:s6+$0x0] =	vst v61;
	v62 =	vld.idx.msk [tilespmem:v60+s4+$0x0], $0xffff;
	(v2sf) =	vpush v7, $0x5;
	s1 =	spop (v2sf)  }
0x2ac: {  	[dreg:$0x16] =	wrdreg s17;
	[tilespmem:s6+$0xFFFFFFE0] =	vst v9;
	v10 =	vld.idx.msk [tilespmem:v13+s4+$0x0], $0xffff;
	s2 =	spop (v2sf);
	(v2sf) =	vpush v8, $0x5  }
0x2ad: {  	[dreg:$0x19] =	wrdreg s18;
	v63 =	vld.idx.msk [tilespmem:v14+s4+$0x0], $0xffff;
	(v2sf) =	vpush v7, $0x4;
	s4 =	spop (v2sf)  }
0x2ae: {  	[dreg:$0x1c] =	wrdreg s19;
	s5 =	spop (v2sf);
	(v2sf) =	vpush v8, $0x4  }
0x2af: {  	[dreg:$0x1d] =	wrdreg s20;
	(v2sf) =	vpush v7, $0x3  }
0x2b0: {  	[smem:$0x7E2] =	sst s21;
	(v2sf) =	vpush v8, $0x3  }
0x2b1: {  	[smem:$0x7E4] =	sst s22;
	s6 =	spop (v2sf);
	(v2sf) =	vpush v7, $0x2  }
0x2b2: {  	[dreg:$0xb] =	wrdreg s23;
	s9 =	spop (v2sf);
	(v2sf) =	vpush v8, $0x2  }
0x2b3: {  	[dreg:$0xa] =	wrdreg s24;
	s10 =	spop (v2sf);
	(v2sf) =	vpush v7, $0x1  }
0x2b4: {  	[dreg:$0xe] =	wrdreg s25;
	s11 =	spop (v2sf);
	(v2sf) =	vpush v8, $0x1  }
0x2b5: {  	[dreg:$0xd] =	wrdreg s26;
	(v2sf) =	vpush v7, $0x0;
	s12 =	spop (v2sf)  }
0x2b6: {  	[dreg:$0x12] =	wrdreg s31;
	v10 =	vmul.f32 v10, v6;
	s13 =	spop (v2sf);
	(v2sf) =	vpush v8, $0x0  }
0x2b7: {  	[dreg:$0x11] =	wrdreg s1;
	(v2sf) =	vpush v7, $0xF;
	s14 =	spop (v2sf)  }
0x2b8: {  	[dreg:$0x14] =	wrdreg s2;
	[tilespmem:s8+$0xFFFFFE00] =	vst v10;
	s15 =	spop (v2sf);
	(v2sf) =	vpush v8, $0xF  }
0x2b9: {  	[dreg:$0x15] =	wrdreg s4;
	v10 =	vld.idx.msk [tilespmem:v13+s3+$0x0], $0xffff;
	(v2sf) =	vpush v5, $0xE;
	s17 =	spop (v2sf)  }
0x2ba: {  	v9 =	vmul.f32 v62, v6;
	[dreg:$0x17] =	wrdreg s5;
	(v2sf) =	vpush v5, $0xD;
	s18 =	spop (v2sf)  }
0x2bb: {  	v11 =	vmul.f32 v63, v6;
	[dreg:$0x18] =	wrdreg s6;
	(v2sf) =	vpush v5, $0xC;
	s19 =	spop (v2sf)  }
0x2bc: {  	[tilespmem:s8+$0xFFFFFDF0] =	vst v9;
	[dreg:$0x1a] =	wrdreg s9;
	(v2sf) =	vpush v5, $0xB;
	s20 =	spop (v2sf)  }
0x2bd: {  	v9 =	vld.idx.msk [tilespmem:v60+s3+$0x0], $0xffff;
	[tilespmem:s8+$0xFFFFFDE0] =	vst v11;
	[dreg:$0x1b] =	wrdreg s10;
	(v2sf) =	vpush v5, $0xA;
	s21 =	spop (v2sf)  }
0x2be: {  	v11 =	vld.idx.msk [tilespmem:v14+s3+$0x0], $0xffff;
	[dreg:$0x1e] =	wrdreg s11;
	v10 =	vmul.f32 v10, v6;
	(v2sf) =	vpush v5, $0x9;
	s22 =	spop (v2sf)  }
0x2bf: {  	[dreg:$0x1f] =	wrdreg s12;
	(v2sf) =	vpush v5, $0x8;
	s23 =	spop (v2sf)  }
0x2c0: {  	[tilespmem:s8+$0x0] =	vst v10;
	[smem:$0x7E6] =	sst s13;
	(v2sf) =	vpush v5, $0x7;
	s24 =	spop (v2sf)  }
0x2c1: {  	v7 =	vld.idx.msk [tilespmem:v13+s7+$0x0], $0xffff;
	[smem:$0x7E7] =	sst s14;
	(v2sf) =	vpush v5, $0x6;
	s25 =	spop (v2sf)  }
0x2c2: {  	v9 =	vmul.f32 v9, v6;
	[smem:$0x7E8] =	sst s15;
	(v2sf) =	vpush v5, $0x5;
	s26 =	spop (v2sf)  }
0x2c3: {  	v11 =	vmul.f32 v11, v6;
	[smem:$0x7E9] =	sst s17;
	(v2sf) =	vpush v5, $0x4;
	s5 =	spop (v2sf)  }
0x2c4: {  	[tilespmem:s8+$0xFFFFFFF0] =	vst v9;
	[smem:$0x7EA] =	sst s18;
	(v2sf) =	vpush v5, $0x3;
	s28 =	spop (v2sf)  }
0x2c5: {  	v9 =	vld.idx.msk [tilespmem:v60+s7+$0x0], $0xffff;
	[tilespmem:s8+$0xFFFFFFE0] =	vst v11;
	[smem:$0x7EB] =	sst s19;
	(v2sf) =	vpush v5, $0x2;
	s0 =	spop (v2sf)  }
0x2c6: {  	v8 =	vld.idx.msk [tilespmem:v14+s7+$0x0], $0xffff;
	v7 =	vmul.f32 v7, v6;
	[smem:$0x7EC] =	sst s20;
	(v2sf) =	vpush v5, $0x1;
	s15 =	spop (v2sf)  }
0x2c7: {  	s31 =	sadd.s32 $0x30, s16;
	[smem:$0x7ED] =	sst s21;
	(v2sf) =	vpush v5, $0x0;
	s17 =	spop (v2sf)  }
0x2c8: {  	p0 =	slt.u32 s16, $0x1C0;
	[tilespmem:s8+$0x200] =	vst v7;
	v7 =	vor.u32 s31, v3;
	[smem:$0x7EE] =	sst s22;
	(v2sf) =	vpush v5, $0xF;
	s13 =	spop (v2sf)  }
.Ltmp1:
0x2c9: {  	s9 =	spop (v2sf);
	(v2sf) =	vpush v7, $0xE;
	(pc) =	sbr.rel @p0 .LBB2_5-.Ltmp1, $4  }
0x2ca: {  	v9 =	vmul.f32 v9, v6;
	[smem:$0x7EF] =	sst s23;
	s2 =	spop (v2sf);
	(v2sf) =	vpush v7, $0xD  }
0x2cb: {  	v8 =	vmul.f32 v8, v6;
	[smem:$0x7F0] =	sst s24;
	s22 =	spop (v2sf);
	(v2sf) =	vpush v7, $0xC  }
0x2cc: {  	[tilespmem:s8+$0x1F0] =	vst v9;
	[smem:$0x7F1] =	sst s25;
	s25 =	spop (v2sf);
	(v2sf) =	vpush v7, $0xB  }
0x2cd: {  	s16 =	sadd.s32 $0x40, s16;
	[tilespmem:s8+$0x1E0] =	vst v8;
	[smem:$0x7F2] =	sst s26;
	s30 =	spop (v2sf);
	(v2sf) =	vpush v7, $0xA  }
0x2ce: {  	(v2sf) =	vpush v7, $0x9;
	s16 =	spop (v2sf)  }
0x2cf: {  	(v2sf) =	vpush v7, $0xF;
	s7 =	spop (v2sf)  }
0x2d0: {  	(v2sf) =	vpush v7, $0x0;
	s10 =	spop (v2sf)  }
0x2d1: {  	(v2sf) =	vpush v7, $0x1;
	s11 =	spop (v2sf)  }
0x2d2: {  	(v2sf) =	vpush v7, $0x2;
	s12 =	spop (v2sf)  }
0x2d3: {  	(v2sf) =	vpush v7, $0x3;
	s19 =	spop (v2sf)  }
0x2d4: {  	(v2sf) =	vpush v7, $0x4;
	s3 =	spop (v2sf)  }
0x2d5: {  	(v2sf) =	vpush v7, $0x5;
	s1 =	spop (v2sf)  }
0x2d6: {  	(v2sf) =	vpush v7, $0x6;
	s4 =	spop (v2sf)  }
0x2d7: {  	(v2sf) =	vpush v7, $0x7;
	s6 =	spop (v2sf)  }
0x2d8: {  	(v2sf) =	vpush v7, $0x8;
	s14 =	spop (v2sf)  }
0x2d9: {  	s18 =	spop (v2sf)  }
0x2da: {  	s20 =	spop (v2sf)  }
0x2db: {  	s26 =	spop (v2sf)  }
0x2dc: {  	s24 =	spop (v2sf)  }
0x2dd: {  	s23 =	spop (v2sf)  }
0x2de: {  	s21 =	spop (v2sf)  }
0x2df: {  	(drf) =	srem.u32 s21, s6;
	s31 =	spop (v2sf)  }
0x2e0: {  	(drf) =	srem.u32 s31, s4;
	s31 =	spop (v2sf)  }
0x2e1: {  	(drf) =	srem.u32 s31, s1;
	s31 =	spop (v2sf)  }
0x2e2: {  	(drf) =	srem.u32 s31, s3;
	s31 =	spop (v2sf)  }
0x2e3: {  	(drf) =	srem.u32 s31, s19;
	s31 =	spop (v2sf)  }
0x2e4: {  	(drf) =	srem.u32 s31, s12;
	s31 =	spop (v2sf)  }
0x2e5: {  	(drf) =	srem.u32 s31, s11;
	s31 =	spop (v2sf)  }
0x2e6: {  	(drf) =	srem.u32 s31, s10;
	s31 =	spop (v2sf)  }
0x2e7: {  	(drf) =	srem.u32 s31, s7;
	s31 =	spop (v2sf)  }
0x2e8: {  	(drf) =	srem.u32 s31, s16;
	s21 =	spop (drf)  }
0x2e9: {  	(drf) =	srem.u32 s23, s30;
	s23 =	spop (drf)  }
0x2ea: {  	v5 =	vmov s21;
	s21 =	rddreg [dreg:$0xf];
	(drf) =	srem.u32 s24, s25  }
0x2eb: {  	s24 =	spop (drf);
	v5 =	vsel vm0, s23, v5;
	s23 =	rddreg [dreg:$0x1a]  }
0x2ec: {  	(drf) =	srem.u32 s26, s22;
	s31 =	spop (drf)  }
0x2ed: {  	v5 =	vsel vm1, s24, v5;
	(drf) =	srem.u32 s20, s2;
	s26 =	spop (drf)  }
0x2ee: {  	v5 =	vsel vm2, s31, v5;
	s31 =	rddreg [dreg:$0xc];
	(drf) =	srem.u32 s18, s9  }
0x2ef: {  	s20 =	spop (drf);
	v5 =	vsel vm3, s26, v5;
	s26 =	rddreg [dreg:$0x1b]  }
0x2f0: {  	[smem:$0x78A] =	sst s20;
	(drf) =	srem.u32 s14, s13  }
0x2f1: {  	s14 =	spop (drf);
	s20 =	sld [smem:$0x7E4]  }
0x2f2: {  	(drf) =	srem.u32 s15, s6;
	s15 =	spop (drf)  }
0x2f3: {  	s24 =	sld [smem:$0x78A];
	(drf) =	srem.u32 s17, s6  }
0x2f4: {  	s17 =	spop (drf);
	(drf) =	srem.u32 s20, s6  }
0x2f5: {  	s18 =	smov.u32 s13;
	s13 =	spop (drf);
	s6 =	sld [smem:$0x7E2]  }
0x2f6: {  	[smem:$0x78B] =	sst s13  }
0x2f7: {  	(drf) =	srem.u32 s28, s4;
	s28 =	spop (drf)  }
0x2f8: {  	v5 =	vsel vm4, s24, v5;
	s24 =	rddreg [dreg:$0x9];
	s20 =	spop (drf)  }
0x2f9: {  	[smem:$0x78C] =	sst s20  }
0x2fa: {  	v5 =	vsel vm5, s14, v5;
	s20 =	sld [smem:$0x7F2]  }
0x2fb: {  	s13 =	spop (drf);
	v5 =	vsel vm6, s15, v5;
	s15 =	rddreg [dreg:$0x17]  }
0x2fc: {  	(drf) =	srem.u32 s0, s4;
	[smem:$0x78D] =	sst s13  }
0x2fd: {  	(drf) =	srem.u32 s6, s4;
	s13 =	rddreg [dreg:$0x1d]  }
0x2fe: {  	s4 =	spop (drf);
	v5 =	vsel vm7, s17, v5;
	s17 =	rddreg [dreg:$0x18]  }
0x2ff: {  	[smem:$0x78E] =	sst s4  }
0x300: {  	s6 =	spop (drf);
	(drf) =	srem.u32 s20, s1  }
0x301: {  	[smem:$0x78F] =	sst s6;
	s20 =	spop (drf)  }
0x302: {  	(drf) =	srem.u32 s5, s1;
	[smem:$0x791] =	sst s20  }
0x303: {  	s4 =	spop (drf);
	s5 =	sld [smem:$0x7F1]  }
0x304: {  	(drf) =	srem.u32 s13, s1;
	s1 =	sld [smem:$0x7F0]  }
0x305: {  	[smem:$0x790] =	sst s4  }
0x306: {  	s6 =	spop (drf);
	s13 =	rddreg [dreg:$0x1c]  }
0x307: {  	[smem:$0x792] =	sst s6;
	s20 =	spop (drf)  }
0x308: {  	[smem:$0x793] =	sst s20  }
0x309: {  	s20 =	spop (drf);
	(drf) =	srem.u32 s1, s3  }
0x30a: {  	s1 =	sld [smem:$0x7EE];
	s4 =	spop (drf)  }
0x30b: {  	[smem:$0x794] =	sst s4  }
0x30c: {  	(drf) =	srem.u32 s5, s3;
	s5 =	rddreg [dreg:$0x19]  }
0x30d: {  	(drf) =	srem.u32 s13, s3;
	s3 =	sld [smem:$0x7EF]  }
0x30e: {  	s6 =	spop (drf);
	s4 =	sld [smem:$0x7EA]  }
0x30f: {  	[smem:$0x795] =	sst s6;
	(drf) =	srem.u32 s1, s19  }
0x310: {  	s13 =	sld [smem:$0x7EC];
	(drf) =	srem.u32 s3, s19  }
0x311: {  	(drf) =	srem.u32 s5, s19;
	s19 =	sld [smem:$0x7ED]  }
0x312: {  	s1 =	rddreg [dreg:$0x16]  }
0x313: {  	s5 =	sld [smem:$0x7EB];
	(drf) =	srem.u32 s13, s12  }
0x314: {  	s13 =	spop (drf);
	(drf) =	srem.u32 s19, s12  }
0x315: {  	s19 =	spop (drf);
	(drf) =	srem.u32 s1, s12  }
0x316: {  	s3 =	spop (drf);
	s1 =	sld [smem:$0x7E9]  }
0x317: {  	[smem:$0x796] =	sst s3;
	(drf) =	srem.u32 s4, s11  }
0x318: {  	s6 =	spop (drf);
	s3 =	rddreg [dreg:$0x13]  }
0x319: {  	(drf) =	srem.u32 s5, s11;
	s12 =	spop (drf)  }
0x31a: {  	(drf) =	srem.u32 s29, s11;
	s29 =	sld [smem:$0x7E8]  }
0x31b: {  	s5 =	sld [smem:$0x7E6];
	s11 =	spop (drf)  }
0x31c: {  	[smem:$0x797] =	sst s11  }
0x31d: {  	s11 =	spop (drf);
	(drf) =	srem.u32 s29, s10  }
0x31e: {  	s29 =	spop (drf);
	(drf) =	srem.u32 s1, s10  }
0x31f: {  	s4 =	spop (drf);
	s1 =	rddreg [dreg:$0x10]  }
0x320: {  	[smem:$0x798] =	sst s4  }
0x321: {  	(drf) =	srem.u32 s3, s10;
	s10 =	sld [smem:$0x7E7]  }
0x322: {  	s3 =	rddreg [dreg:$0x1e]  }
0x323: {  	s4 =	rddreg [dreg:$0x1f]  }
0x324: {  	(drf) =	srem.u32 s5, s7;
	s5 =	spop (drf)  }
0x325: {  	(drf) =	srem.u32 s10, s7;
	s10 =	spop (drf)  }
0x326: {  	(drf) =	srem.u32 s1, s7;
	s7 =	spop (drf)  }
0x327: {  	(drf) =	srem.u32 s3, s16;
	s0 =	spop (drf)  }
0x328: {  	(drf) =	srem.u32 s4, s16;
	s4 =	spop (drf)  }
0x329: {  	(drf) =	srem.u32 s21, s16;
	s3 =	spop (drf)  }
0x32a: {  	(drf) =	srem.u32 s23, s30;
	s16 =	spop (drf)  }
0x32b: {  	(drf) =	srem.u32 s26, s30;
	s21 =	spop (drf)  }
0x32c: {  	s26 =	rddreg [dreg:$0x14];
	(drf) =	srem.u32 s31, s30  }
0x32d: {  	s23 =	spop (drf);
	s30 =	rddreg [dreg:$0x15]  }
0x32e: {  	s31 =	rddreg [dreg:$0x8];
	(drf) =	srem.u32 s15, s25  }
0x32f: {  	s1 =	spop (drf);
	(drf) =	srem.u32 s17, s25  }
0x330: {  	s14 =	spop (drf);
	(drf) =	srem.u32 s24, s25  }
0x331: {  	s25 =	sld [smem:$0x78B];
	s15 =	spop (drf)  }
0x332: {  	(drf) =	srem.u32 s26, s22;
	s17 =	spop (drf)  }
0x333: {  	s26 =	sld [smem:$0x78E];
	(drf) =	srem.u32 s30, s22  }
0x334: {  	s24 =	spop (drf);
	s30 =	sld [smem:$0x78F]  }
0x335: {  	v5 =	vsel vm8, s25, v5;
	(drf) =	srem.u32 s31, s22;
	s31 =	sld [smem:$0x790]  }
0x336: {  	v5 =	vsel vm9, s28, v5;
	s28 =	sld [smem:$0x78C]  }
0x337: {  	s25 =	sld [smem:$0x78D]  }
0x338: {  	v7 =	vmov s31;
	s31 =	sld [smem:$0x791]  }
0x339: {  	s22 =	spop (drf);
	v5 =	vsel vm10, s28, v5;
	s28 =	rddreg [dreg:$0x12]  }
0x33a: {  	v7 =	vsel vm0, s20, v7;
	s20 =	rddreg [dreg:$0xe];
	(drf) =	srem.u32 s28, s2  }
0x33b: {  	v5 =	vsel vm11, s25, v5;
	s25 =	spop (drf);
	s28 =	rddreg [dreg:$0x11]  }
0x33c: {  	v7 =	vsel vm1, s13, v7;
	v5 =	vsel vm12, s26, v5;
	(drf) =	srem.u32 s28, s2;
	s28 =	sld [smem:$0x792]  }
0x33d: {  	v7 =	vsel vm2, s6, v7;
	v5 =	vsel vm13, s30, v5;
	s30 =	rddreg [dreg:$0x7]  }
0x33e: {  	s26 =	spop (drf);
	v7 =	vsel vm3, s11, v7;
	s11 =	rddreg [dreg:$0xa]  }
0x33f: {  	(drf) =	srem.u32 s30, s2;
	s30 =	sld [smem:$0x793]  }
0x340: {  	v5 =	vsel vm14, s31, v5;
	s31 =	sld [smem:$0x794]  }
0x341: {  	s2 =	spop (drf);
	v8 =	vmov s28;
	s28 =	sld [smem:$0x795]  }
0x342: {  	(drf) =	srem.u32 s20, s9;
	s20 =	sld [smem:$0x796]  }
0x343: {  	v9 =	vmov s30;
	s30 =	rddreg [dreg:$0xd]  }
0x344: {  	s13 =	spop (drf);
	v8 =	vsel vm0, s31, v8;
	s31 =	rddreg [dreg:$0x6]  }
0x345: {  	s6 =	spop (drf);
	v9 =	vsel vm0, s28, v9;
	s28 =	sld [smem:$0x797]  }
0x346: {  	v8 =	vsel vm1, s19, v8;
	(drf) =	srem.u32 s30, s9;
	s19 =	rddreg [dreg:$0x4]  }
0x347: {  	(drf) =	srem.u32 s31, s9;
	v8 =	vsel vm2, s12, v8;
	s31 =	sld [smem:$0x798]  }
0x348: {  	v9 =	vsel vm1, s20, v9;
	s9 =	spop (drf);
	v8 =	vsel vm3, s29, v8;
	s29 =	rddreg [dreg:$0xb]  }
0x349: {  	v7 =	vsel vm4, s5, v7;
	s30 =	spop (drf);
	v9 =	vsel vm2, s28, v9;
	(drf) =	srem.u32 s29, s18  }
0x34a: {  	v7 =	vsel vm5, s0, v7;
	v8 =	vsel vm4, s10, v8;
	s12 =	spop (drf);
	v9 =	vsel vm3, s31, v9;
	(drf) =	srem.u32 s11, s18  }
0x34b: {  	v7 =	vsel vm6, s16, v7;
	v8 =	vsel vm5, s4, v8;
	s20 =	spop (drf);
	(drf) =	srem.u32 s19, s18;
	v9 =	vsel vm4, s7, v9  }
0x34c: {  	v7 =	vsel vm7, s1, v7;
	v8 =	vsel vm6, s21, v8;
	s21 =	spop (drf);
	v9 =	vsel vm5, s3, v9  }
0x34d: {  	v7 =	vsel vm8, s17, v7;
	v8 =	vsel vm7, s14, v8;
	v9 =	vsel vm6, s23, v9;
	s23 =	spop (drf)  }
0x34e: {  	v7 =	vsel vm9, s25, v7;
	v8 =	vsel vm8, s24, v8;
	v9 =	vsel vm7, s15, v9;
	s28 =	spop (drf)  }
0x34f: {  	v7 =	vsel vm10, s13, v7;
	v8 =	vsel vm9, s26, v8;
	v9 =	vsel vm8, s22, v9;
	s29 =	spop (drf)  }
0x350: {  	v7 =	vsel vm11, s30, v7;
	v8 =	vsel vm10, s6, v8;
	v9 =	vsel vm9, s2, v9;
	s30 =	spop (drf)  }
0x351: {  	v7 =	vsel vm12, s21, v7;
	v8 =	vsel vm11, s12, v8;
	v9 =	vsel vm10, s9, v9;
	s31 =	spop (drf)  }
0x352: {  	v7 =	vsel vm13, s29, v7;
	v8 =	vsel vm12, s23, v8;
	v9 =	vsel vm11, s20, v9;
	s5 =	spop (drf)  }
0x353: {  	v8 =	vsel vm13, s30, v8;
	v9 =	vsel vm12, s28, v9;
	v7 =	vsel vm14, s5, v7;
	s6 =	spop (drf)  }
0x354: {  	v9 =	vsel vm13, s31, v9;
	v8 =	vsel vm14, s6, v8;
	s7 =	spop (drf)  }
0x355: {  	v9 =	vsel vm14, s7, v9  }
0x356: {  	s9 =	simm.s32 $0xC100  }
0x357: {  	v5 =	vld.idx.msk [tilespmem:v5+s9+$0x0], $0xffff  }
0x358: {  	v7 =	vld.idx.msk [tilespmem:v7+s9+$0x0], $0xffff  }
0x359: {  	v8 =	vld.idx.msk [tilespmem:v8+s9+$0x0], $0xffff  }
0x35a: {  	v9 =	vld.idx.msk [tilespmem:v9+s9+$0x0], $0xffff;
	_ =	sdelay $0x1  }
0x35b: {  	v10 =	vsel vm15, $0x0, v5  }
0x35c: {  	v11 =	vsel vm15, $0x0, v7  }
0x35d: {  	s10 =	rddreg [dreg:$0x5];
	v5 =	vadd.s32 v1, v5;
	v12 =	vsel vm15, $0x0, v8  }
0x35e: {  	s0 =	sadd.s32 $0x40, s10;
	v5 =	vsel vm15, $0x20000, v5;
	v7 =	vadd.s32 v1, v7;
	v13 =	vsel vm15, $0x0, v9  }
0x35f: {  	s11 =	simm.s32 $0x0;
	[tilespmem:s0+$0x10] =	vst v5;
	v5 =	vsel vm15, $0x20000, v7;
	v7 =	vadd.s32 v1, v8  }
0x360: {  	v60 =	vld.idx.msk [tilespmem:v10+s11+$0x0], $0xffff;
	v9 =	vadd.s32 v1, v9;
	[tilespmem:s0+$0xFFFFFFF0] =	vst v5;
	v5 =	vsel vm15, $0x20000, v7  }
0x361: {  	v7 =	vsel vm15, $0x20000, v9;
	[tilespmem:s0+$0x0] =	vst v5;
	v5 =	vld.idx.msk [tilespmem:v11+s11+$0x0], $0xffff  }
0x362: {  	[tilespmem:s0+$0xFFFFFFE0] =	vst v7;
	v7 =	vld.idx.msk [tilespmem:v12+s11+$0x0], $0xffff  }
0x363: {  	v61 =	vld.idx.msk [tilespmem:v13+s11+$0x0], $0xffff;
	_ =	sdelay $0x1  }
0x364: {  	v8 =	vmul.f32 v60, v6  }
0x365: {  	s12 =	sadd.s32 $0x40, s8;
	v5 =	vmul.f32 v5, v6  }
0x366: {  	s13 =	simm.s32 $0x4000;
	[tilespmem:s12+$0xFFFFFE10] =	vst v8;
	v7 =	vmul.f32 v7, v6  }
0x367: {  	v8 =	vld.idx.msk [tilespmem:v10+s13+$0x0], $0xffff;
	v9 =	vmul.f32 v61, v6;
	[tilespmem:s12+$0xFFFFFDF0] =	vst v5  }
0x368: {  	v5 =	vld.idx.msk [tilespmem:v11+s13+$0x0], $0xffff;
	[tilespmem:s12+$0xFFFFFE00] =	vst v7  }
0x369: {  	[tilespmem:s12+$0xFFFFFDE0] =	vst v9;
	v7 =	vld.idx.msk [tilespmem:v12+s13+$0x0], $0xffff  }
0x36a: {  	v9 =	vld.idx.msk [tilespmem:v13+s13+$0x0], $0xffff;
	_ =	sdelay $0x1  }
0x36b: {  	v8 =	vmul.f32 v8, v6  }
0x36c: {  	v5 =	vmul.f32 v5, v6  }
0x36d: {  	s14 =	simm.s32 $0x8000;
	[tilespmem:s12+$0x10] =	vst v8;
	v7 =	vmul.f32 v7, v6  }
0x36e: {  	[tilespmem:s12+$0xFFFFFFF0] =	vst v5;
	v5 =	vld.idx.msk [tilespmem:v10+s14+$0x0], $0xffff;
	v62 =	vmul.f32 v9, v6  }
0x36f: {  	v63 =	vld.idx.msk [tilespmem:v11+s14+$0x0], $0xffff;
	[tilespmem:s12+$0x0] =	vst v7  }
0x370: {  	[tilespmem:s12+$0xFFFFFFE0] =	vst v62;
	v7 =	vld.idx.msk [tilespmem:v12+s14+$0x0], $0xffff  }
0x371: {  	v8 =	vld.idx.msk [tilespmem:v13+s14+$0x0], $0xffff;
	_ =	sdelay $0x1  }
0x372: {  	v5 =	vmul.f32 v5, v6  }
0x373: {  	v9 =	vmul.f32 v63, v6  }
0x374: {  	[tilespmem:s12+$0x210] =	vst v5;
	v5 =	vmul.f32 v7, v6  }
0x375: {  	v6 =	vmul.f32 v8, v6;
	[tilespmem:s12+$0x1F0] =	vst v9  }
0x376: {  	[tilespmem:s12+$0x200] =	vst v5  }
0x377: {  	[tilespmem:s12+$0x1E0] =	vst v6  }
0x378: {  	s0 =	sld [smem:$0x7F5];
	_ =	sdelay $0x1  }
0x379: {  	s16 =	simm.s32 $0xC310;
	s17 =	simm.s32 $0xC510;
	s15 =	simm.s32 $0x80  }
0x37a: {  	[tilespmem:s17], [sflag:$0x1] =	stream.indirect.gather [hbm4b:s0+s15], $0x10, s16, s15, $0xb8;
	[tilespmem:$0xEB30] =	vst v63  }
0x37b: {  	s18 =	simm.s32 $0xC390;
	s19 =	simm.s32 $0xCD10  }
0x37c: {  	[tilespmem:s19], [sflag:$0x1] =	stream.indirect.gather [hbm4b:s0+s15], $0x10, s18, s15, $0xb8;
	[tilespmem:$0xEB30] =	vst v63  }
0x37d: {  	s21 =	simm.s32 $0xD510;
	s20 =	simm.s32 $0xC410  }
0x37e: {  	[tilespmem:s21], [sflag:$0x1] =	stream.indirect.gather [hbm4b:s0+s15], $0x10, s20, s15, $0xb8;
	[tilespmem:$0xEB30] =	vst v63  }
0x37f: {  	s24 =	simm.s32 $0x1;
	s22 =	simm.s32 $0xC490;
	s23 =	simm.s32 $0xDD10  }
0x380: {  	[tilespmem:s23], [sflag:$0x1] =	stream.indirect.gather [hbm4b:s0+s15], $0x10, s22, s15, $0xb8;
	[tilespmem:$0xEB30] =	vst v63  }
0x381: {  	_ =	swait.ge [sflag:s24], $0x800  }
0x382: {  	[sflag:s24] =	ssyncset.done $0x0  }
0x383: {  	[sflag:s24] =	ssyncadd.s32 $0xFFFFF800  }
0x384: {  	_ =	swait.ge [sflag:s24], $0x800  }
0x385: {  	[sflag:s24] =	ssyncset.done $0x0  }
0x386: {  	[sflag:s24] =	ssyncadd.s32 $0xFFFFF800  }
0x387: {  	_ =	swait.ge [sflag:s24], $0x800  }
0x388: {  	[sflag:s24] =	ssyncset.done $0x0  }
0x389: {  	[sflag:s24] =	ssyncadd.s32 $0xFFFFF800  }
0x38a: {  	_ =	swait.ge [sflag:s24], $0x800  }
0x38b: {  	s25 =	sld [smem:$0x7F6]  }
0x38c: {  	s26 =	sld [smem:$0x7F3];
	_ =	sdelay $0x1  }
0x38d: {  	[sflag:s24] =	ssyncset.done $0x0  }
0x38e: {  	[sflag:s24] =	ssyncadd.s32 $0xFFFFF800;
	s0 =	sor.u32 s25, s26  }
0x38f: {  	s2 =	rddreg [dreg:$0x1];
	s28 =	sshll.u32 s0, $0xA  }
0x390: {  	s1 =	sadd.s32 s2, s28;
	s2 =	simm.s32 $0x2  }
0x391: {  	[hbm4b:s1+s11] =	stream.linear.scatter [tilespmem:s17], [sflag:$0x2], $0x2000, $0x38;
	[tilespmem:$0xEB30] =	vst v63  }
0x392: {  	_ =	swait.ge [sflag:s2], $0x2000  }
0x393: {  	s29 =	sld [smem:$0x7F7]  }
0x394: {  	s0 =	smul.u32 $0xC0, s0  }
0x395: {  	s30 =	simm.s32 $0xE510;
	s4 =	sadd.s32 $0x1, s26;
	[sflag:s2] =	ssyncset.done $0x0  }
0x396: {  	p0 =	sne.s32 s4, $0x20;
	[sflag:s2] =	ssyncadd.s32 $0xFFFFE000;
	s0 =	sadd.s32 s29, s0  }
0x397: {  	v5 =	vmov s26;
	[hbm4b:s0+s11] =	stream.linear.scatter [tilespmem:s30], [sflag:$0x2], $0x600, $0x38;
	[tilespmem:$0xEB30] =	vst v63  }
.Ltmp2:
0x398: {  	_ = 	snop;
	(pc) =	sbr.rel @p0 .LBB2_2-.Ltmp2, $4  }
0x399: {  	_ =	swait.ge [sflag:s2], $0x600  }
0x39a: {  	[sflag:s2] =	ssyncset.done $0x0  }
0x39b: {  	s31 =	simm.s32 $0xEB10;
	v6 =	vsel vm15, $0x1, v0;
	[sflag:s2] =	ssyncadd.s32 $0xFFFFFA00  }
0x39c: {  	s3 =	simm.s32 $0x8000;
	s8 =	simm.s32 $0x0;
	s1 =	simm.s32 $0x4000;
	[tilespmem:v5+s31+$0x0] =	vst.idx.msk $0x1, v6  }
0x39d: {  	s0 =	sld [smem:$0x7FC];
	_ =	sdelay $0x1  }
0x39e: {  	s4 =	simm.s32 $0xEB10  }
0x39f: {  	[hbm4b:s0+s8] =	stream.linear.scatter [tilespmem:s4], [sflag:$0x2], $0x20, $0x38;
	[tilespmem:$0xEB30] =	vst v63  }
0x3a0: {  	_ =	swait.ge [sflag:s2], $0x20  }
0x3a1: {  	s30 =	sld [smem:$0x7F4]  }
0x3a2: {  	s31 =	sld [smem:$0x7FD];
	_ =	sdelay $0x1  }
0x3a3: {  	s4 =	sadd.s32 $0x1, s30  }
0x3a4: {  	p0 =	sne.s32 s4, s31  }
.Ltmp3:
0x3a5: {  	_ = 	snop;
	(pc) =	sbr.rel @p0 .LBB2_1-.Ltmp3, $3  }
0x3a6: {  	_ =	sdelay $0x1  }
0x3a7: {  	[sflag:s2] =	ssyncset.done $0x0  }
0x3a8: {  	[sflag:s2] =	ssyncadd.s32 $0xFFFFFFE0  }
0x3a9: {  	_ =	sfence.sel $0x180000  }
0x3aa: {  	[bflag:$0x0] =	sbarrier.arrive $0xFFFF  }
0x3ab: {  	_ =	strace $0x90000047  }
0x3ac: {  	s0 =	stileid.u32;
	[bflag:$0x2] =	sbarrier.arrive $0xFFFF  }
0x3ad: {  	p0 =	sne.s32 s0, $0x0;
	s0 =	rddreg [dreg:$0x3]  }
0x3ae: {  	s0 =	sadd.s32 @!p0 $0x100000, s0  }
0x3af: {  	[sflag:s0] =	ssyncadd.tile.s32 @!p0 $0x1;
	_ =	shalt  }
.Lfunc_end2:
_tile_overlayer_lowered:
.L_overlay_start_2:
0x3b0: {  	(tag) =	ssettag $0x2  }
0x3b1: {  	s0 =	rddreg [dreg:$0x0];
	s2 =	stileid.u32  }
0x3b2: {  	s1 =	rddreg [dreg:$0x1];
	p0 =	sne.s32 s2, $0x0  }
0x3b3: {  	s3 =	rddreg [dreg:$0x2];
	[bflag:$0x3] =	sbarrier.arrive $0xFFFF;
	s2 =	simm.s32 @!p0 $0x1C02  }
0x3b4: {  	[timem:s3], [sflag:s2] =	dma.local @!p0 [hbm:s0], s1  }
0x3b5: {  	s0 =	simm.s32 @!p0 $0x2  }
0x3b6: {  	_ =	swait.ge @!p0 [sflag:s0], s1  }
0x3b7: {  	s1 =	ssub.s32 @!p0 $0x0, s1;
	[sflag:s0] =	ssyncset.done @!p0 $0x0  }
0x3b8: {  	[sflag:s0] =	ssyncadd.s32 @!p0 s1  }
0x3b9: {  	[bflag:$0x3] =	sbarrier.arrive $0xFFFF  }
0x3ba: {  	_ =	shalt  }

// kernel: sparse-core-data-format-call.cloned.1.call-start
scs
called_computation_lowered:
.L_overlay_start_0:
0x0: {  	s1 =	sld [smem:$0x3FD9]  }
0x1: {  	s2 =	sld [smem:$0x3FFE];
	_ =	sdelay $0x1  }
0x2: {  	s3 =	srdreg.scid  }
0x3: {  	s0 =	sand.u32 $0x1, s3  }
0x4: {  	s17 =	sshll.u32 s0, $0xA;
	s1 =	sadd.s32 s2, s1  }
0x5: {  	s1 =	sadd.s32 s1, s17  }
0x6: {  	[smem:$0x3FC5] =	sst s1  }
0x7: {  	_ = 	snop  }
0x8: {  	(tm) =	ssettm $0x1  }
0x9: {  	s18 =	sld [smem:$0x3FFB];
	_ =	sdelay $0x3  }
0xa: {  	_ =	strace s18  }
0xb: {  	s1 =	sld [smem:$0x3FFC];
	_ =	sdelay $0x3  }
0xc: {  	_ =	strace s1  }
0xd: {  	s1 =	sld [smem:$0x3FFD];
	_ =	sdelay $0x3  }
0xe: {  	_ =	strace s1  }
0xf: {  	_ =	strace $0x8FFFFFFF  }
0x10: {  	s19 =	sld [smem:$0x3FDB];
	_ =	sdelay $0x1  }
0x11: {  	s20 =	simm.s32 $_scs_section_size  }
0x12: {  	s4 =	simm.s32 $_size__tile_overlayer_lowered;
	s5 =	simm.s32 $_tile_overlayer_lowered  }
0x13: {  	s23 =	simm.s32 $0x1BFF;
	s22 =	sshll.u32 s5, $0x1;
	s1 =	sadd.s32 s20, s19  }
0x14: {  	s6 =	simm.s32 $0x0;
	s21 =	sshll.u32 s4, $0x1;
	s4 =	sadd.s32 s22, s1  }
0x15: {  	[timem:s6], [sflag:s23] =	dma.local [hbm:s4], s21  }
0x16: {  	_ =	swait.ge [sflag:s23], s21  }
0x17: {  	s2 =	ssub.s32 $0x0, s21;
	[sflag:s23] =	ssyncset.done $0x0  }
0x18: {  	[sflag:s23] =	ssyncadd.s32 s2;
	_ =	sdelay $0x1  }
0x19: {  	s24 =	simm.s32 $0x1B8B  }
0x1a: {  	_ =	swait.ge [sflag:s24], $0x1  }
0x1b: {  	[sflag:s24] =	ssyncset.done $0x0  }
0x1c: {  	s26 =	simm.s32 $0x1B8E;
	s25 =	sld [smem:$0x3FFE];
	[sflag:s24] =	ssyncadd.s32 $0xFFFFFFFF  }
0x1d: {  	s27 =	simm.s32 $execute0_lowered;
	[smem:$0x3FD2] =	sst s26  }
0x1e: {  	s4 =	sshll.u32 s27, $0x1;
	_ =	strace $0x80000049;
	[dreg:$0x1] =	wrdreg $0xFFFFFFFF  }
0x1f: {  	s28 =	simm.s32 $_size_execute0_lowered;
	s1 =	sadd.s32 s1, s4;
	[dreg:$0x0] =	wrdreg $0x0  }
0x20: {  	s4 =	sshll.u32 s28, $0x1;
	[dreg:$0x2] =	wrdreg s1  }
0x21: {  	[dreg:$0x3] =	wrdreg s4  }
0x22: {  	[dreg:$0x4] =	wrdreg $0xC0  }
0x23: {  	_ =	task [dreg:s6], $0x5FFFF  }
0x24: {  	[dreg:$0x1] =	wrdreg $0xFFFFFFFF  }
0x25: {  	[dreg:$0x0] =	wrdreg $0x60  }
0x26: {  	[dreg:$0x2] =	wrdreg s25  }
0x27: {  	[dreg:$0x3] =	wrdreg $0x9  }
0x28: {  	_ =	task.clear_ibuf [dreg:s6], $0x4FFFF;
	_ =	strace $0x90000049  }
0x29: {  	s29 =	simm.s32 $0x9;
	_ =	strace $0x8000004B  }
0x2a: {  	_ =	swait.ge [sflag:s29], $0x1  }
0x2b: {  	[sflag:s29] =	ssyncadd.s32 $0xFFFFFFFF  }
0x2c: {  	_ =	strace $0x9000004B  }
0x2d: {  	_ =	sfence  }
0x2e: {  	s30 =	sld [smem:$0x0];
	_ =	sdelay $0x2  }
0x2f: {  	s31 =	sshll.u32 s3, $0xD;
	s3 =	sshrl.u32 s3, $0x2  }
0x30: {  	s2 =	sand.u32 $0x4000, s31;
	s1 =	sadd.s32 s3, s30  }
0x31: {  	s0 =	sor.u32 s2, s0;
	s1 =	sshll.u32 s1, $0x11  }
0x32: {  	s0 =	sor.u32 s1, s0  }
0x33: {  	s0 =	sadd.s32 $0x8F2B, s0  }
0x34: {  	[sflag:s0] =	ssyncadd.remote.s32 $0x1  }
0x35: {  	_ =	sfence.sel $0xFFFF  }
0x36: {  	[dreg:$0x0] =	wrdreg $0xFFFFFFFF;
	(pc) =	sbr.abs _section_cstart, $3  }
0x37: {  	[dreg:$0x1] =	wrdreg $0xFFFFFFFF  }
0x38: {  	_ =	task.clear_ibuf [dreg:s6], $0x2FFFF;
	_ =	strace $0x9FFFFFFF  }
0x39: {  	(tm) =	ssettm $0x7FFFFFFF  }
tec
execute0_lowered:
.L_overlay_start_1:
0x0: {  	(tag) =	ssettag $0x1  }
0x1: {  	s1 =	srdreg.scid;
	s0 =	stileid.u32  }
0x2: {  	s14 =	rddreg [dreg:$0x0];
	s7 =	simm.s32 $0x1;
	s8 =	simm.s32 $0x2  }
0x3: {  	s21 =	simm.s32 $0x0;
	s16 =	simm.s32 $0x10000;
	s23 =	simm.s32 $0x0  }
0x4: {  	s22 =	simm.s32 $0x0;
	s17 =	simm.s32 $0x0;
	s20 =	simm.s32 $0x0  }
0x5: {  	s1 =	sshll.u32 s1, $0x4;
	s3 =	sadd.s32 $0x7D600, s14;
	s4 =	sadd.s32 $0x87D600, s14  }
0x6: {  	s9 =	sadd.s32 $0x81600, s14;
	s10 =	sadd.s32 $0x83600, s14;
	s1 =	sor.u32 s0, s1  }
0x7: {  	s11 =	sadd.s32 $0x85600, s14;
	s12 =	sadd.s32 $0x87600, s14;
	s2 =	sand.u32 $0x18, s1  }
0x8: {  	s13 =	sadd.s32 $0x89600, s14;
	s1 =	rddreg [dreg:$0x1];
	s6 =	ssub.s32 $0x80, s2  }
0x9: {  	_ =	strace $0x8000004A;
	s18 =	smov.u32 s2;
	s5 =	sand.u32 $0x18, s6  }
.Ltmp0:
0xa: {  	p0 =	sne.s32 s5, $0x0;
	s5 =	simm.s32 $0x1;
	(pc) =	sbr.rel .LBB1_1-.Ltmp0, $4  }
0xb: {  	s6 =	sshrl.u32 s6, $0x5;
	s7 =	simm.s32 @!p0 $0x0;
	[sflag:s5] =	ssyncpa.u1 $0x0  }
0xc: {  	p0 =	por $0x0, $0x0;
	s7 =	sadd.s32 s7, s6;
	s6 =	sand.u32 $0x7, s0  }
0xd: {  	[sflag:s8] =	ssyncpa.u1 $0x0;
	s8 =	sadd.s32 $0x7F600, s14;
	s7 =	sshll.u32 s7, $0x2  }
0xe: {  	s14 =	sadd.s32 $0x8B600, s14;
	s19 =	smov.u32 s6;
	s15 =	sor.u32 $0x1, s7  }
.LBB1_7:
0xf: {  	s24 =	sadd.s32 $0x80, s17  }
0x10: {  	s21 =	sadd.s32 $0x20, s18;
	s25 =	smov.u32 s18;
	p2 =	sgt.s32 s24, $0x1FF  }
0x11: {  	s25 =	smov.u32 @p2 s21  }
0x12: {  	s27 =	smov.u32 s19;
	s21 =	sadd.s32 $0x8, s19;
	p3 =	sgt.s32 s25, $0x7F  }
0x13: {  	s27 =	smov.u32 @p3 s21  }
0x14: {  	s24 =	simm.s32 @p2 $0x0;
	p2 =	sgt.s32 s27, $0x7  }
0x15: {  	p1 =	slt.u32 s20, $0x2;
	s27 =	smov.u32 @p2 s6;
	p2 =	sne.s32 s20, s15  }
.Ltmp1:
0x16: {  	s26 =	simm.s32 @!p1 $0x2;
	(pc) =	sbr.rel @!p2 .LBB1_8-.Ltmp1, $4  }
0x17: {  	s23 =	smov.u32 s18;
	s22 =	smov.u32 s19;
	_ =	swait.ge @!p1 [sflag:s26], $0x4000  }
0x18: {  	p0 =	por !p0, !p0;
	[sflag:s26] =	ssyncset.done @!p1 $0x0;
	s25 =	smov.u32 @p3 s2  }
0x19: {  	s21 =	smov.u32 s17;
	[sflag:s26] =	ssyncadd.s32 @!p1 $0xFFFFC000;
	s17 =	smov.u32 s24  }
0x1a: {  	s18 =	smov.u32 s25;
	s20 =	sadd.s32 $0x1, s20;
	s19 =	smov.u32 s27  }
.LBB1_1:
0x1b: {  	p1 =	sge.u32 s20, s7  }
0x1c: {  	s24 =	sxor.u32 @!p1 $0xFFFFFFFF, s20;
	s25 =	sshll.u32 @!p1 s19, $0x14;
	s26 =	sshll.u32 @!p1 s18, $0xD  }
0x1d: {  	s28 =	sshll.u32 @!p1 s17, $0x4;
	s29 =	simm.s32 @!p1 $0x10;
	s27 =	sadd.s32 @!p1 s25, s26  }
0x1e: {  	s24 =	sshll.u32 @!p1 s24, $0xE;
	s28 =	sand.u32 @!p1 $0x1FF0, s28;
	s27 =	sadd.s32 @!p1 s3, s27  }
0x1f: {  	s30 =	simm.s32 @!p1 $0x80;
	s24 =	sand.u32 @!p1 $0x4000, s24;
	s27 =	sadd.s32 @!p1 s28, s27  }
0x20: {  	[tilespmem:s24], [sflag:$0x1] =	stream.strided.gather @!p1 [hbm4b:s27+s29], $0x800, s30, s29, $0x38;
	[tilespmem:$0x10100] =	vst v63  }
0x21: {  	s27 =	sadd.s32 @!p1 s25, s8  }
0x22: {  	s27 =	sadd.s32 @!p1 s26, s27  }
0x23: {  	s31 =	sor.u32 @!p1 $0x800, s24;
	s27 =	sadd.s32 @!p1 s28, s27  }
0x24: {  	[tilespmem:s31], [sflag:$0x1] =	stream.strided.gather @!p1 [hbm4b:s27+s29], $0x800, s30, s29, $0x38;
	[tilespmem:$0x10100] =	vst v63  }
0x25: {  	s27 =	sadd.s32 @!p1 s25, s9  }
0x26: {  	s27 =	sadd.s32 @!p1 s26, s27  }
0x27: {  	s31 =	sor.u32 @!p1 $0x1000, s24;
	s27 =	sadd.s32 @!p1 s28, s27  }
0x28: {  	[tilespmem:s31], [sflag:$0x1] =	stream.strided.gather @!p1 [hbm4b:s27+s29], $0x800, s30, s29, $0x38;
	[tilespmem:$0x10100] =	vst v63  }
0x29: {  	s27 =	sadd.s32 @!p1 s25, s10  }
0x2a: {  	s27 =	sadd.s32 @!p1 s26, s27  }
0x2b: {  	s31 =	sor.u32 @!p1 $0x1800, s24;
	s27 =	sadd.s32 @!p1 s28, s27  }
0x2c: {  	[tilespmem:s31], [sflag:$0x1] =	stream.strided.gather @!p1 [hbm4b:s27+s29], $0x800, s30, s29, $0x38;
	[tilespmem:$0x10100] =	vst v63  }
0x2d: {  	s27 =	sadd.s32 @!p1 s25, s11  }
0x2e: {  	s27 =	sadd.s32 @!p1 s26, s27  }
0x2f: {  	s31 =	sor.u32 @!p1 $0x2000, s24;
	s27 =	sadd.s32 @!p1 s28, s27  }
0x30: {  	[tilespmem:s31], [sflag:$0x1] =	stream.strided.gather @!p1 [hbm4b:s27+s29], $0x800, s30, s29, $0x38;
	[tilespmem:$0x10100] =	vst v63  }
0x31: {  	s27 =	sadd.s32 @!p1 s25, s12  }
0x32: {  	s27 =	sadd.s32 @!p1 s26, s27  }
0x33: {  	s31 =	sor.u32 @!p1 $0x2800, s24;
	s27 =	sadd.s32 @!p1 s28, s27  }
0x34: {  	[tilespmem:s31], [sflag:$0x1] =	stream.strided.gather @!p1 [hbm4b:s27+s29], $0x800, s30, s29, $0x38;
	[tilespmem:$0x10100] =	vst v63  }
0x35: {  	s27 =	sadd.s32 @!p1 s25, s13  }
0x36: {  	s25 =	sadd.s32 @!p1 s25, s14;
	s27 =	sadd.s32 @!p1 s26, s27  }
0x37: {  	s31 =	sor.u32 @!p1 $0x3000, s24;
	s25 =	sadd.s32 @!p1 s26, s25;
	s27 =	sadd.s32 @!p1 s28, s27  }
0x38: {  	[tilespmem:s31], [sflag:$0x1] =	stream.strided.gather @!p1 [hbm4b:s27+s29], $0x800, s30, s29, $0x38;
	[tilespmem:$0x10100] =	vst v63  }
0x39: {  	s24 =	sor.u32 @!p1 $0x3800, s24;
	s25 =	sadd.s32 @!p1 s28, s25;
	s31 =	sadd.s32 $0xFFFFFFFF, s20  }
0x3a: {  	[tilespmem:s24], [sflag:$0x1] =	stream.strided.gather @!p1 [hbm4b:s25+s29], $0x800, s30, s29, $0x38;
	[tilespmem:$0x10100] =	vst v63  }
0x3b: {  	p1 =	sge.u32 s31, s7  }
.Ltmp2:
0x3c: {  	_ = 	snop;
	(pc) =	sbr.rel @p1 .LBB1_7-.Ltmp2, $1  }
0x3d: {  	_ =	sdelay $0x3  }
0x3e: {  	s24 =	simm.s32 $0x1;
	s26 =	sand.u32 $0x1, s20  }
0x3f: {  	_ =	swait.ge [sflag:s5], $0x4000;
	s24 =	simm.s32 @!p0 $0x0;
	s27 =	smul.u32 $0x10200, s26  }
0x40: {  	[sflag:s5] =	ssyncset.done $0x0;
	s25 =	smul.u32 $0x10200, s24  }
0x41: {  	s24 =	sshll.u32 s24, $0xE;
	[sflag:s5] =	ssyncadd.s32 $0xFFFFC000  }
0x42: {  	s26 =	sor.u32 $0x40, s24;
	s31 =	sshrl.u32 s27, $0x2;
	s25 =	sshrl.u32 s25, $0x2  }
0x43: {  	s27 =	simm.s32 $0x0;
	s24 =	sor.u32 $0x8000, s31;
	s25 =	sor.u32 $0x8007, s25  }
.LBB1_3:
0x44: {  	v3 =	vld [tilespmem:s26+$0x30]  }
0x45: {  	v4 =	vld [tilespmem:s26+$0xFFFFFFD0]  }
0x46: {  	v5 =	vld [tilespmem:s26+$0xFFFFFFE0]  }
0x47: {  	v1 =	vld [tilespmem:s26+$0xFFFFFFF0]  }
0x48: {  	v0 =	vld [tilespmem:s26+$0x0]  }
0x49: {  	v2 =	vld [tilespmem:s26+$0x10];
	[tilespmem:s25+$0x0 ss:$0x408] =	vst.msk $0xffff, v3  }
0x4a: {  	[tilespmem:s25+$0xFFFFFFFA ss:$0x408] =	vst.msk $0xffff, v4;
	v4 =	vld [tilespmem:s26+$0x20]  }
0x4b: {  	s29 =	simm.s32 $0x0;
	s30 =	sadd.s32 $0x80, s26;
	s28 =	smov.u32 s25;
	v3 =	vld [tilespmem:s26+$0xFFFFFFC0];
	[tilespmem:s25+$0xFFFFFFFB ss:$0x408] =	vst.msk $0xffff, v5  }
.LBB1_4:
0x4c: {  	v5 =	vld [tilespmem:s30+$0x30];
	s29 =	sadd.s32 $0x8, s29;
	[tilespmem:s28+$0xFFFFFFFC ss:$0x408] =	vst.msk $0xffff, v1  }
0x4d: {  	v6 =	vld [tilespmem:s30+$0xFFFFFFD0];
	p1 =	slt.u32 s29, $0x78;
	[tilespmem:s28+$0xFFFFFFFD ss:$0x408] =	vst.msk $0xffff, v0  }
0x4e: {  	v7 =	vld [tilespmem:s30+$0xFFFFFFE0];
	[tilespmem:s28+$0xFFFFFFFE ss:$0x408] =	vst.msk $0xffff, v2  }
.Ltmp3:
0x4f: {  	v1 =	vld [tilespmem:s30+$0xFFFFFFF0];
	[tilespmem:s28+$0xFFFFFFFF ss:$0x408] =	vst.msk $0xffff, v4;
	(pc) =	sbr.rel @p1 .LBB1_4-.Ltmp3, $4  }
0x50: {  	v0 =	vld [tilespmem:s30+$0x0];
	[tilespmem:s28+$0xFFFFFFF9 ss:$0x408] =	vst.msk $0xffff, v3;
	s28 =	sadd.s32 $0x8, s28  }
0x51: {  	v2 =	vld [tilespmem:s30+$0x10];
	[tilespmem:s28+$0x0 ss:$0x408] =	vst.msk $0xffff, v5  }
0x52: {  	[tilespmem:s28+$0xFFFFFFFA ss:$0x408] =	vst.msk $0xffff, v6;
	v4 =	vld [tilespmem:s30+$0x20]  }
0x53: {  	v3 =	vld [tilespmem:s30+$0xFFFFFFC0];
	[tilespmem:s28+$0xFFFFFFFB ss:$0x408] =	vst.msk $0xffff, v7;
	s30 =	sadd.s32 $0x80, s30  }
0x54: {  	s27 =	sadd.s32 $0x1, s27  }
0x55: {  	p1 =	sne.s32 s27, $0x8  }
.Ltmp4:
0x56: {  	[tilespmem:s28+$0xFFFFFFFC ss:$0x408] =	vst.msk $0xffff, v1;
	(pc) =	sbr.rel @p1 .LBB1_3-.Ltmp4, $4  }
0x57: {  	[tilespmem:s28+$0xFFFFFFFD ss:$0x408] =	vst.msk $0xffff, v0  }
0x58: {  	[tilespmem:s28+$0xFFFFFFFE ss:$0x408] =	vst.msk $0xffff, v2  }
0x59: {  	[tilespmem:s28+$0xFFFFFFFF ss:$0x408] =	vst.msk $0xffff, v4  }
0x5a: {  	s25 =	sadd.s32 $0x81, s25;
	s26 =	sadd.s32 $0x800, s26;
	[tilespmem:s28+$0xFFFFFFF9 ss:$0x408] =	vst.msk $0xffff, v3  }
0x5b: {  	s25 =	sshll.u32 s23, $0x9;
	s26 =	sshll.u32 s21, $0x3  }
0x5c: {  	s29 =	sshll.u32 s23, $0x7;
	s27 =	sand.u32 $0x78, s21;
	s22 =	sshll.u32 s22, $0x11  }
0x5d: {  	s31 =	sand.u32 $0x7, s21;
	s25 =	sand.u32 $0xF000, s25;
	s26 =	sand.u32 $0xFC00, s26  }
0x5e: {  	s30 =	sand.u32 $0x200, s29;
	s23 =	sand.u32 $0x180, s29;
	s25 =	sadd.s32 s25, s26  }
.Ltmp5:
0x5f: {  	s23 =	sor.u32 s27, s23;
	s25 =	sor.u32 s30, s25;
	(pc) =	sbr.rel .LBB1_7-.Ltmp5, $4  }
0x60: {  	s22 =	sadd.s32 s4, s22;
	s23 =	sshrl.u32 s23, $0x3;
	s25 =	sshrl.u32 s25, $0x3  }
0x61: {  	s21 =	sshll.u32 s31, $0x12;
	s22 =	sadd.s32 s23, s22;
	s25 =	sand.u32 $0x1FC0, s25  }
0x62: {  	s21 =	sor.u32 $0x400, s21;
	s22 =	sadd.s32 s25, s22  }
0x63: {  	[hbm4b:s22+s21] =	stream.strided.scatter [tilespmem:s24], [sflag:$0x2], $0x4000, s16, s21, $0x20;
	[tilespmem:$0x10100] =	vst v63  }
.LBB1_8:
0x64: {  	_ =	sfence.sel $0x180000  }
0x65: {  	s2 =	simm.s32 $0x1;
	[bflag:$0x0] =	sbarrier.arrive $0xFFFF  }
0x66: {  	s31 =	simm.s32 $0x2;
	[sflag:s2] =	ssyncpa.u1 $0x1  }
0x67: {  	[sflag:s31] =	ssyncpa.u1 $0x1  }
0x68: {  	p0 =	sne.s32 s0, $0x0;
	_ =	strace $0x9000004A  }
0x69: {  	s0 =	sadd.s32 @!p0 $0x100000, s1;
	[bflag:$0x2] =	sbarrier.arrive $0xFFFF  }
0x6a: {  	[sflag:s0] =	ssyncadd.tile.s32 @!p0 $0x1;
	_ =	shalt  }
.Lfunc_end1:
_tile_overlayer_lowered:
.L_overlay_start_2:
0x6b: {  	(tag) =	ssettag $0x2  }
0x6c: {  	s0 =	rddreg [dreg:$0x0];
	s2 =	stileid.u32  }
0x6d: {  	s1 =	rddreg [dreg:$0x1];
	p0 =	sne.s32 s2, $0x0  }
0x6e: {  	s3 =	rddreg [dreg:$0x2];
	[bflag:$0x3] =	sbarrier.arrive $0xFFFF;
	s2 =	simm.s32 @!p0 $0x1C01  }
0x6f: {  	[timem:s3], [sflag:s2] =	dma.local @!p0 [hbm:s0], s1  }
0x70: {  	s0 =	simm.s32 @!p0 $0x1  }
0x71: {  	_ =	swait.ge @!p0 [sflag:s0], s1  }
0x72: {  	s1 =	ssub.s32 @!p0 $0x0, s1;
	[sflag:s0] =	ssyncset.done @!p0 $0x0  }
0x73: {  	[sflag:s0] =	ssyncadd.s32 @!p0 s1  }
0x74: {  	[bflag:$0x3] =	sbarrier.arrive $0xFFFF  }
0x75: {  	_ =	shalt  }

</sc_bundles>
